<compile_context>
chip_gen: v7x
topology: tpu7x:2x2x1
jax: 0.10.2.dev20260603
libtpu: 0.0.44.dev20260713+nightly
codegen_flags: <defaults>
</compile_context>

<pallas_src>
import functools

import jax
import jax.numpy as jnp
from jax import lax
from jax.experimental import pallas as pl
from jax.experimental.pallas import tpu as pltpu
from jax.experimental.pallas import tpu_sc as plsc

N = 10000
E = 320000
D = 128
H = 2
C = 16
HC = H * C

NC = 2
NS = 16
NW = NC * NS
EPW = E // NW
CH = 1000
NCHUNK = EPW // CH
SUB = 125
NSUB = CH // SUB
RPT = N // NS
RB = 2000

@functools.cache
def _mesh():
    return plsc.VectorSubcoreMesh(core_axis_name="c", subcore_axis_name="s",
                                  num_cores=NC, num_subcores=NS)


def _xform_body(x_ref, wl_ref, bl_ref, wr_ref, br_ref, xl_ref, xr_ref):
    xb = x_ref[...]
    xl_ref[...] = jnp.dot(xb, wl_ref[...], preferred_element_type=jnp.float32) + bl_ref[...]
    xr_ref[...] = jnp.dot(xb, wr_ref[...], preferred_element_type=jnp.float32) + br_ref[...]


def _xform(x, W_l, b_l, W_r, b_r):
    return pl.pallas_call(
        _xform_body,
        grid=(N // RB,),
        in_specs=[
            pl.BlockSpec((RB, D), lambda i: (i, 0)),
            pl.BlockSpec((D, HC), lambda i: (0, 0)),
            pl.BlockSpec((1, HC), lambda i: (0, 0)),
            pl.BlockSpec((D, HC), lambda i: (0, 0)),
            pl.BlockSpec((1, HC), lambda i: (0, 0)),
        ],
        out_specs=[
            pl.BlockSpec((RB, HC), lambda i: (i, 0)),
            pl.BlockSpec((RB, HC), lambda i: (i, 0)),
        ],
        out_shape=[
            jax.ShapeDtypeStruct((N, HC), jnp.float32),
            jax.ShapeDtypeStruct((N, HC), jnp.float32),
        ],
    )(x, W_l, b_l, W_r, b_r)


@functools.cache
def _gather_kernel():
    return functools.partial(
        pl.kernel,
        out_type=[
            jax.ShapeDtypeStruct((E, HC), jnp.float32),
            jax.ShapeDtypeStruct((E, HC), jnp.float32),
        ],
        mesh=_mesh(),
        compiler_params=pltpu.CompilerParams(use_tc_tiling_on_sc=False),
        scratch_types=[
            pltpu.VMEM((NSUB, SUB), jnp.int32),
            pltpu.VMEM((NSUB, SUB), jnp.int32),
            pltpu.VMEM((CH, HC), jnp.float32),
            pltpu.VMEM((CH, HC), jnp.float32),
            pltpu.SemaphoreType.DMA,
        ],
    )(_gather_body)


def _gather_body(xl_hbm, xr_hbm, src2_hbm, dst2_hbm, xj_hbm, xi_hbm,
                 src_v, dst_v, rl_v, ri_v, sem):
    wid = lax.axis_index("c") * NS + lax.axis_index("s")

    def chunk(ci, carry):
        base = wid * EPW + ci * CH
        rowbase = wid * (EPW // SUB) + ci * NSUB
        pltpu.sync_copy(src2_hbm.at[pl.ds(rowbase, NSUB)], src_v)
        pltpu.sync_copy(dst2_hbm.at[pl.ds(rowbase, NSUB)], dst_v)
        descs = []
        for j in range(NSUB):
            sl = pl.ds(j * SUB, SUB)
            descs.append(pltpu.async_copy(xl_hbm.at[src_v.at[j]], rl_v.at[sl], sem))
            descs.append(pltpu.async_copy(xr_hbm.at[dst_v.at[j]], ri_v.at[sl], sem))
        for dsc in descs:
            dsc.wait()
        pltpu.sync_copy(rl_v, xj_hbm.at[pl.ds(base, CH)])
        pltpu.sync_copy(ri_v, xi_hbm.at[pl.ds(base, CH)])
        return carry

    lax.fori_loop(0, NCHUNK, chunk, 0)


def _edge_body(xj_ref, xi_ref, a2p_ref, bb_ref, w_ref, p_ref):
    xj = xj_ref[...]
    u = xj + xi_ref[...]
    s = jnp.maximum(u, 0.2 * u)
    logit8 = jnp.dot(s, a2p_ref[...], preferred_element_type=jnp.float32)
    p8 = jnp.exp(logit8)
    pE = jnp.dot(p8, bb_ref[...], preferred_element_type=jnp.float32)
    w_ref[...] = xj * pE
    p_ref[...] = p8


def _edge(xj4, xi4, A2p, BB):
    E4 = E // 4
    return pl.pallas_call(
        _edge_body,
        grid=(E4 // RB,),
        in_specs=[
            pl.BlockSpec((RB, 128), lambda i: (i, 0)),
            pl.BlockSpec((RB, 128), lambda i: (i, 0)),
            pl.BlockSpec((128, 8), lambda i: (0, 0)),
            pl.BlockSpec((8, 128), lambda i: (0, 0)),
        ],
        out_specs=[
            pl.BlockSpec((RB, 128), lambda i: (i, 0)),
            pl.BlockSpec((RB, 8), lambda i: (i, 0)),
        ],
        out_shape=[
            jax.ShapeDtypeStruct((E4, 128), jnp.float32),
            jax.ShapeDtypeStruct((E4, 8), jnp.float32),
        ],
    )(xj4, xi4, A2p, BB)


DW = 2048
DR = 16


@functools.cache
def _scatter_kernel():
    return functools.partial(
        pl.kernel,
        out_type=[
            jax.ShapeDtypeStruct((NC * N, HC), jnp.float32),
            jax.ShapeDtypeStruct((NC * DR, DW), jnp.float32),
        ],
        mesh=_mesh(),
        compiler_params=pltpu.CompilerParams(use_tc_tiling_on_sc=False,
                                             needs_layout_passes=False),
        scratch_types=[
            pltpu.VMEM((NSUB, SUB), jnp.int32),
            pltpu.VMEM((CH,), jnp.int32),
            pltpu.VMEM((CH, HC), jnp.float32),
            pltpu.VMEM((2 * CH,), jnp.float32),
            pltpu.VMEM((DR, DW), jnp.float32),
            pltpu.VMEM((16,), jnp.int32),
            pltpu.VMEM_SHARED((N, HC), jnp.float32),
            pltpu.VMEM_SHARED((DR, DW), jnp.float32),
            pltpu.SemaphoreType.DMA,
        ],
    )(_scatter_body)


def _scatter_body(w_hbm, p_hbm, dst2_hbm, dstf_hbm, z32_hbm, zden_hbm,
                  num_out, den_out, dst2_v, dstf_v, w_v, p_v, den_v, idx16_v,
                  accum, den_sh, sem):
    cid = lax.axis_index("c")
    sid = lax.axis_index("s")
    wid = cid * NS + sid
    iota16 = lax.iota(jnp.int32, 16)
    idx16_v[...] = iota16
    pltpu.sync_copy(zden_hbm, den_v)
    pltpu.sync_copy(z32_hbm.at[pl.ds(sid * RPT, RPT)], accum.at[pl.ds(sid * RPT, RPT)])

    @pl.when(sid == 0)
    def _():
        pltpu.sync_copy(zden_hbm, den_sh)

    plsc.subcore_barrier()

    def chunk(ci, carry):
        base = wid * EPW + ci * CH
        pltpu.sync_copy(w_hbm.at[pl.ds(base, CH)], w_v)
        pltpu.sync_copy(dst2_hbm.at[pl.ds(wid * (EPW // SUB) + ci * NSUB, NSUB)], dst2_v)
        pltpu.sync_copy(dstf_hbm.at[pl.ds(base, CH)], dstf_v)
        pltpu.sync_copy(p_hbm.at[pl.ds(2 * base, 2 * CH)], p_v)
        descs = []
        for j in range(NSUB):
            descs.append(pltpu.async_copy(
                w_v.at[pl.ds(j * SUB, SUB)], accum.at[dst2_v.at[j]], sem, add=True))

        def dgroup(g, c2):
            pv = p_v[pl.ds(g * 16, 16)]
            ec = g * 8 + (iota16 >> 1)
            dvals = plsc.load_gather(dstf_v, [ec])
            sidx = dvals * 2 + (iota16 & 1)
            plsc.addupdate_scatter(den_v, [sidx >> 11, sidx & (DW - 1)], pv)
            return c2

        lax.fori_loop(0, 2 * CH // 16, dgroup, 0)
        for dsc in descs:
            dsc.wait()
        return carry

    lax.fori_loop(0, NCHUNK, chunk, 0)
    pltpu.sync_copy(den_v, den_sh.at[idx16_v], add=True)
    plsc.subcore_barrier()
    pltpu.sync_copy(accum.at[pl.ds(sid * RPT, RPT)],
                    num_out.at[pl.ds(cid * N + sid * RPT, RPT)])

    @pl.when(sid == 0)
    def _():
        pltpu.sync_copy(den_sh, den_out.at[pl.ds(cid * DR, DR)])


def _final_body(np_ref, dp_ref, b2b_ref, bias_ref, w1_ref, b1_ref, w2_ref,
                b2_ref, q_ref):
    num = np_ref[0] + np_ref[1]
    den = jnp.sum(dp_ref[...], axis=0)
    recip = 1.0 / (den + 1e-16)
    recip_b = jnp.dot(recip, b2b_ref[...], preferred_element_type=jnp.float32)
    outg = num * recip_b + bias_ref[...]
    hmid = jnp.maximum(
        jnp.dot(outg, w1_ref[...], preferred_element_type=jnp.float32) + b1_ref[...], 0.0)
    q_ref[...] = jnp.dot(hmid, w2_ref[...], preferred_element_type=jnp.float32) + b2_ref[...]


def _final(num_part, den_part, B2b, bias_gat, W1, b1, W2, b2):
    return pl.pallas_call(
        _final_body,
        grid=(N // RB,),
        in_specs=[
            pl.BlockSpec((NC, RB, HC), lambda i: (0, i, 0)),
            pl.BlockSpec((NC, RB, 2), lambda i: (0, i, 0)),
            pl.BlockSpec((2, HC), lambda i: (0, 0)),
            pl.BlockSpec((1, HC), lambda i: (0, 0)),
            pl.BlockSpec((HC, 32), lambda i: (0, 0)),
            pl.BlockSpec((1, 32), lambda i: (0, 0)),
            pl.BlockSpec((32, 2), lambda i: (0, 0)),
            pl.BlockSpec((1, 2), lambda i: (0, 0)),
        ],
        out_specs=pl.BlockSpec((RB, 2), lambda i: (i, 0)),
        out_shape=jax.ShapeDtypeStruct((N, 2), jnp.float32),
    )(num_part, den_part, B2b, bias_gat, W1, b1, W2, b2)


def kernel(x, edge_index, W_l, b_l, W_r, b_r, att, bias_gat, W1, b1, W2, b2):
    src = edge_index[0]
    dst = edge_index[1]

    xl, xr = _xform(x, W_l, b_l.reshape(1, HC), W_r, b_r.reshape(1, HC))
    src2 = src.reshape(E // SUB, SUB)
    dst2 = dst.reshape(E // SUB, SUB)
    xj, xi = _gather_kernel()(xl, xr, src2, dst2)

    kk = jnp.arange(128)
    mm = jnp.arange(8)
    attf = jnp.tile(att.reshape(HC), 4)
    A2p = attf[:, None] * ((kk[:, None] // C) == mm[None, :]).astype(jnp.float32)
    BB = (mm[:, None] == (kk[None, :] // C)).astype(jnp.float32)

    w4, p8 = _edge(xj.reshape(E // 4, 128), xi.reshape(E // 4, 128), A2p, BB)
    w = w4.reshape(E, HC)
    pflat = p8.reshape(2 * E)

    z32 = jnp.zeros((N, HC), jnp.float32)
    zden = jnp.zeros((DR, DW), jnp.float32)
    num_part, den_part = _scatter_kernel()(w, pflat, dst2, dst, z32, zden)
    den3 = den_part.reshape(NC, DR * DW)[:, :2 * N].reshape(NC, N, 2)

    hh = jnp.arange(2)
    B2b = (hh[:, None] == (jnp.arange(HC)[None, :] // C)).astype(jnp.float32)
    q = _final(num_part.reshape(NC, N, HC), den3,
               B2b, bias_gat.reshape(1, HC), W1, b1.reshape(1, 32),
               W2, b2.reshape(1, 2))
    return q

# --- scband reference (transcript-rebuilt; emitter-appended) ---
"""Pipeline reference for scband-gnn-76003741270414 (READ-ONLY COPY).

The authoritative reference and input builder live on the scoring server;
editing this copy changes nothing except your own understanding.
"""

import jax, jax.numpy as jnp
import numpy as np

N = 10000
E = 320000
D = 128
H = 2
C = 16
HID = 32
OUT = 2


def setup_inputs(seed: int = 0) -> dict:
    key = jax.random.key(seed)
    ks = jax.random.split(key, 13)
    x = jax.random.normal(ks[0], (N, D), dtype=jnp.float32)
    edge_index = jax.random.randint(ks[1], (2, E), 0, N, dtype=jnp.int32)
    # GATv2Conv parameters (lin_l, lin_r both have bias in PyG; att: [1,H,C]; final bias: [H*C])
    W_l = jax.random.normal(ks[2], (D, H * C), dtype=jnp.float32) * (1.0 / np.sqrt(D))
    b_l = jnp.zeros((H * C,), dtype=jnp.float32)
    W_r = jax.random.normal(ks[3], (D, H * C), dtype=jnp.float32) * (1.0 / np.sqrt(D))
    b_r = jnp.zeros((H * C,), dtype=jnp.float32)
    att = jax.random.normal(ks[4], (H, C), dtype=jnp.float32) * (1.0 / np.sqrt(C))
    bias_gat = jnp.zeros((H * C,), dtype=jnp.float32)
    # decoder: Linear(H*C, HID) -> ReLU -> Linear(HID, OUT)
    W1 = jax.random.normal(ks[5], (H * C, HID), dtype=jnp.float32) * (1.0 / np.sqrt(H * C))
    b1 = jnp.zeros((HID,), dtype=jnp.float32)
    W2 = jax.random.normal(ks[6], (HID, OUT), dtype=jnp.float32) * (1.0 / np.sqrt(HID))
    b2 = jnp.zeros((OUT,), dtype=jnp.float32)
    return {"x": x, "edge_index": edge_index, "W_l": W_l, "b_l": b_l, "W_r": W_r,
            "b_r": b_r, "att": att, "bias_gat": bias_gat, "W1": W1, "b1": b1,
            "W2": W2, "b2": b2}


def reference(x, edge_index, W_l, b_l, W_r, b_r, att, bias_gat, W1, b1, W2, b2):
    src = edge_index[0]
    dst = edge_index[1]
    # GATv2Conv (edge_dim set but edge_attr is None -> edge path skipped, matching the torch forward)
    x_l = (x @ W_l + b_l).reshape(N, H, C)  # source transform
    x_r = (x @ W_r + b_r).reshape(N, H, C)  # destination transform
    x_j = jnp.take(x_l, src, axis=0)  # [E, H, C] messages from source nodes
    x_i = jnp.take(x_r, dst, axis=0)  # [E, H, C]
    e = jax.nn.leaky_relu(x_j + x_i, negative_slope=0.2)
    alpha = jnp.sum(e * att[None, :, :], axis=-1)  # [E, H]
    # softmax over incoming edges of each destination node
    amax = jax.ops.segment_max(alpha, dst, num_segments=N)  # [N, H]
    alpha = jnp.exp(alpha - jnp.take(amax, dst, axis=0))
    denom = jax.ops.segment_sum(alpha, dst, num_segments=N)  # [N, H]
    alpha = alpha / (jnp.take(denom, dst, axis=0) + 1e-16)
    out = jax.ops.segment_sum(x_j * alpha[:, :, None], dst, num_segments=N)  # [N, H, C]
    out = out.reshape(N, H * C) + bias_gat
    # decoder MLP
    h = jax.nn.relu(out @ W1 + b1)
    q = h @ W2 + b2
    return q

if __name__ == "__main__":
    import jax
    _d = setup_inputs()
    print(jax.jit(kernel)(*tuple(_d.values())))

</pallas_src>

<mosaic_0001>
#map = affine_map<(d0, d1) -> (0, 0)>
#map1 = affine_map<(d0, d1) -> (0)>
module attributes {stable_mosaic.version = 14 : i64} {
  func.func @_scatter_body(%arg0: i32, %arg1: i32, %arg2: memref<320000x32xf32, #tpu.memory_space<hbm>>, %arg3: memref<640000xf32, #tpu.memory_space<hbm>>, %arg4: memref<2560x125xi32, #tpu.memory_space<hbm>>, %arg5: memref<320000xi32, #tpu.memory_space<hbm>>, %arg6: memref<10000x32xf32, #tpu.memory_space<hbm>>, %arg7: memref<16x2048xf32, #tpu.memory_space<hbm>>, %arg8: memref<20000x32xf32, #tpu.memory_space<hbm>>, %arg9: memref<32x2048xf32, #tpu.memory_space<hbm>>, %arg10: memref<8x125xi32, #tpu.memory_space<vmem>>, %arg11: memref<1000xi32, #tpu.memory_space<vmem>>, %arg12: memref<1000x32xf32, #tpu.memory_space<vmem>>, %arg13: memref<2000xf32, #tpu.memory_space<vmem>>, %arg14: memref<16x2048xf32, #tpu.memory_space<vmem>>, %arg15: memref<16xi32, #tpu.memory_space<vmem>>, %arg16: memref<10000x32xf32, #tpu.memory_space<vmem_shared>>, %arg17: memref<16x2048xf32, #tpu.memory_space<vmem_shared>>, %arg18: memref<!tpu.dma_semaphore, #tpu.memory_space<semaphore_mem>>) attributes {dimension_semantics = [#tpu.dimension_semantics<core_parallel>, #tpu.dimension_semantics<subcore_parallel>], iteration_bounds = array<i64: 2, 16>, scalar_prefetch = 0 : i64, scratch_operands = 9 : i64, tpu.core_type = #tpu.core_type<sc_vector_subcore>, window_params = [{transform_indices = #map}, {transform_indices = #map1}, {transform_indices = #map}, {transform_indices = #map1}, {transform_indices = #map}, {transform_indices = #map}, {transform_indices = #map}, {transform_indices = #map}]} {
    %mul3A = arith.constant 16 : i32
    %mul3A_0 = arith.muli %arg0, %mul3A : i32
    %add3A = arith.addi %mul3A_0, %arg1 : i32
    %iota3A = tpu.iota {dimensions = array<i32: 0>} : vector<16xi32>
    %swap3A = arith.constant 0 : index
    %swap3A_1 = tpu.vector_load %arg15[%swap3A] {strides = array<i32>} : memref<16xi32, #tpu.memory_space<vmem>>, vector<16xi32>,
    tpu.vector_store %arg15[%swap3A], %iota3A {strides = array<i32>} : memref<16xi32, #tpu.memory_space<vmem>>, vector<16xi32>,
    "tpu.region"() ({
      %run_scoped3A = tpu.sem_alloc : memref<!tpu.dma_semaphore, #tpu.memory_space<semaphore_mem>>
      tpu.enqueue_dma source(%arg7 : memref<16x2048xf32, #tpu.memory_space<hbm>>) target(%arg14 : memref<16x2048xf32, #tpu.memory_space<vmem>>) target_semaphore(%run_scoped3A : memref<!tpu.dma_semaphore, #tpu.memory_space<semaphore_mem>>)
      tpu.wait_dma2 semaphore(%run_scoped3A : memref<!tpu.dma_semaphore, #tpu.memory_space<semaphore_mem>>) src(%arg7 : memref<16x2048xf32, #tpu.memory_space<hbm>>) dst(%arg14 : memref<16x2048xf32, #tpu.memory_space<vmem>>)
      tpu.yield
    }) : () -> ()
    %mul3A_2 = arith.constant 625 : i32
    %mul3A_3 = arith.muli %arg1, %mul3A_2 : i32
    %mul3A_4 = arith.constant 625 : i32
    %mul3A_5 = arith.muli %arg1, %mul3A_4 : i32
    "tpu.region"() ({
      %run_scoped3A = tpu.sem_alloc : memref<!tpu.dma_semaphore, #tpu.memory_space<semaphore_mem>>
      %dma_start3A = arith.constant 0 : i32
      %dma_start3A_26 = tpu.memref_slice %arg16[%mul3A_5, %dma_start3A] : memref<10000x32xf32, #tpu.memory_space<vmem_shared>> -> memref<625x32xf32, #tpu.memory_space<vmem_shared>>
      %dma_start3A_27 = arith.constant 0 : i32
      %dma_start3A_28 = tpu.memref_slice %arg6[%mul3A_3, %dma_start3A_27] : memref<10000x32xf32, #tpu.memory_space<hbm>> -> memref<625x32xf32, #tpu.memory_space<hbm>>
      tpu.enqueue_dma source(%dma_start3A_28 : memref<625x32xf32, #tpu.memory_space<hbm>>) target(%dma_start3A_26 : memref<625x32xf32, #tpu.memory_space<vmem_shared>>) target_semaphore(%run_scoped3A : memref<!tpu.dma_semaphore, #tpu.memory_space<semaphore_mem>>)
      %dma_wait3A = arith.constant 0 : i32
      %dma_wait3A_29 = tpu.memref_slice %arg16[%mul3A_5, %dma_wait3A] : memref<10000x32xf32, #tpu.memory_space<vmem_shared>> -> memref<625x32xf32, #tpu.memory_space<vmem_shared>>
      %dma_wait3A_30 = arith.constant 0 : i32
      %dma_wait3A_31 = tpu.memref_slice %arg6[%mul3A_3, %dma_wait3A_30] : memref<10000x32xf32, #tpu.memory_space<hbm>> -> memref<625x32xf32, #tpu.memory_space<hbm>>
      tpu.wait_dma2 semaphore(%run_scoped3A : memref<!tpu.dma_semaphore, #tpu.memory_space<semaphore_mem>>) src(%dma_wait3A_31 : memref<625x32xf32, #tpu.memory_space<hbm>>) dst(%dma_wait3A_29 : memref<625x32xf32, #tpu.memory_space<vmem_shared>>)
      tpu.yield
    }) : () -> ()
    %eq3A = arith.constant 0 : i32
    %eq3A_6 = arith.cmpi eq, %arg1, %eq3A : i32
    %convert_element_type3A = arith.extui %eq3A_6 : i1 to i32
    %cond3A = arith.constant 0 : i32
    %cond3A_7 = arith.cmpi ne, %convert_element_type3A, %cond3A : i32
    scf.if %cond3A_7 {
      "tpu.region"() ({
        %run_scoped3A = tpu.sem_alloc : memref<!tpu.dma_semaphore, #tpu.memory_space<semaphore_mem>>
        tpu.enqueue_dma source(%arg7 : memref<16x2048xf32, #tpu.memory_space<hbm>>) target(%arg17 : memref<16x2048xf32, #tpu.memory_space<vmem_shared>>) target_semaphore(%run_scoped3A : memref<!tpu.dma_semaphore, #tpu.memory_space<semaphore_mem>>)
        tpu.wait_dma2 semaphore(%run_scoped3A : memref<!tpu.dma_semaphore, #tpu.memory_space<semaphore_mem>>) src(%arg7 : memref<16x2048xf32, #tpu.memory_space<hbm>>) dst(%arg17 : memref<16x2048xf32, #tpu.memory_space<vmem_shared>>)
        tpu.yield
      }) : () -> ()
    } else {
    }
    %barrier3A = arith.constant 0 : index
    tpu.barrier barrier_id(%barrier3A)
    %scan3A = arith.constant 0 : i32
    %scan3A_8 = arith.constant 0 : i32
    %scan3A_9 = arith.constant 10 : i32
    %scan3A_10 = arith.addi %scan3A_8, %scan3A_9 : i32
    %scan3A_11 = arith.constant 1 : i32
    scf.for %scan3A_26 = %scan3A_8 to %scan3A_10 step %scan3A_11  : i32 {
      %mul3A_27 = arith.constant 10000 : i32
      %mul3A_28 = arith.muli %add3A, %mul3A_27 : i32
      %mul3A_29 = arith.constant 1000 : i32
      %mul3A_30 = arith.muli %scan3A_26, %mul3A_29 : i32
      %add3A_31 = arith.addi %mul3A_28, %mul3A_30 : i32
      "tpu.region"() ({
        %run_scoped3A = tpu.sem_alloc : memref<!tpu.dma_semaphore, #tpu.memory_space<semaphore_mem>>
        %dma_start3A_203 = arith.constant 0 : i32
        %dma_start3A_204 = tpu.memref_slice %arg2[%add3A_31, %dma_start3A_203] : memref<320000x32xf32, #tpu.memory_space<hbm>> -> memref<1000x32xf32, #tpu.memory_space<hbm>>
        %dma_start3A_205 = arith.constant 0 : i32
        %dma_start3A_206 = tpu.memref_slice %arg2[%add3A_31, %dma_start3A_205] : memref<320000x32xf32, #tpu.memory_space<hbm>> -> memref<1000x32xf32, #tpu.memory_space<hbm>>
        tpu.enqueue_dma source(%dma_start3A_206 : memref<1000x32xf32, #tpu.memory_space<hbm>>) target(%arg12 : memref<1000x32xf32, #tpu.memory_space<vmem>>) target_semaphore(%run_scoped3A : memref<!tpu.dma_semaphore, #tpu.memory_space<semaphore_mem>>)
        %dma_wait3A_207 = arith.constant 0 : i32
        %dma_wait3A_208 = tpu.memref_slice %arg2[%add3A_31, %dma_wait3A_207] : memref<320000x32xf32, #tpu.memory_space<hbm>> -> memref<1000x32xf32, #tpu.memory_space<hbm>>
        %dma_wait3A_209 = arith.constant 0 : i32
        %dma_wait3A_210 = tpu.memref_slice %arg2[%add3A_31, %dma_wait3A_209] : memref<320000x32xf32, #tpu.memory_space<hbm>> -> memref<1000x32xf32, #tpu.memory_space<hbm>>
        tpu.wait_dma2 semaphore(%run_scoped3A : memref<!tpu.dma_semaphore, #tpu.memory_space<semaphore_mem>>) src(%dma_wait3A_210 : memref<1000x32xf32, #tpu.memory_space<hbm>>) dst(%arg12 : memref<1000x32xf32, #tpu.memory_space<vmem>>)
        tpu.yield
      }) : () -> ()
      %mul3A_32 = arith.constant 80 : i32
      %mul3A_33 = arith.muli %add3A, %mul3A_32 : i32
      %mul3A_34 = arith.constant 8 : i32
      %mul3A_35 = arith.muli %scan3A_26, %mul3A_34 : i32
      %add3A_36 = arith.addi %mul3A_33, %mul3A_35 : i32
      "tpu.region"() ({
        %run_scoped3A = tpu.sem_alloc : memref<!tpu.dma_semaphore, #tpu.memory_space<semaphore_mem>>
        %dma_start3A_203 = arith.constant 0 : i32
        %dma_start3A_204 = tpu.memref_slice %arg4[%add3A_36, %dma_start3A_203] : memref<2560x125xi32, #tpu.memory_space<hbm>> -> memref<8x125xi32, #tpu.memory_space<hbm>>
        %dma_start3A_205 = arith.constant 0 : i32
        %dma_start3A_206 = tpu.memref_slice %arg4[%add3A_36, %dma_start3A_205] : memref<2560x125xi32, #tpu.memory_space<hbm>> -> memref<8x125xi32, #tpu.memory_space<hbm>>
        tpu.enqueue_dma source(%dma_start3A_206 : memref<8x125xi32, #tpu.memory_space<hbm>>) target(%arg10 : memref<8x125xi32, #tpu.memory_space<vmem>>) target_semaphore(%run_scoped3A : memref<!tpu.dma_semaphore, #tpu.memory_space<semaphore_mem>>)
        %dma_wait3A_207 = arith.constant 0 : i32
        %dma_wait3A_208 = tpu.memref_slice %arg4[%add3A_36, %dma_wait3A_207] : memref<2560x125xi32, #tpu.memory_space<hbm>> -> memref<8x125xi32, #tpu.memory_space<hbm>>
        %dma_wait3A_209 = arith.constant 0 : i32
        %dma_wait3A_210 = tpu.memref_slice %arg4[%add3A_36, %dma_wait3A_209] : memref<2560x125xi32, #tpu.memory_space<hbm>> -> memref<8x125xi32, #tpu.memory_space<hbm>>
        tpu.wait_dma2 semaphore(%run_scoped3A : memref<!tpu.dma_semaphore, #tpu.memory_space<semaphore_mem>>) src(%dma_wait3A_210 : memref<8x125xi32, #tpu.memory_space<hbm>>) dst(%arg10 : memref<8x125xi32, #tpu.memory_space<vmem>>)
        tpu.yield
      }) : () -> ()
      "tpu.region"() ({
        %run_scoped3A = tpu.sem_alloc : memref<!tpu.dma_semaphore, #tpu.memory_space<semaphore_mem>>
        %dma_start3A_203 = tpu.memref_slice %arg5[%add3A_31] : memref<320000xi32, #tpu.memory_space<hbm>> -> memref<1000xi32, #tpu.memory_space<hbm>>
        %dma_start3A_204 = tpu.memref_slice %arg5[%add3A_31] : memref<320000xi32, #tpu.memory_space<hbm>> -> memref<1000xi32, #tpu.memory_space<hbm>>
        tpu.enqueue_dma source(%dma_start3A_204 : memref<1000xi32, #tpu.memory_space<hbm>>) target(%arg11 : memref<1000xi32, #tpu.memory_space<vmem>>) target_semaphore(%run_scoped3A : memref<!tpu.dma_semaphore, #tpu.memory_space<semaphore_mem>>)
        %dma_wait3A_205 = tpu.memref_slice %arg5[%add3A_31] : memref<320000xi32, #tpu.memory_space<hbm>> -> memref<1000xi32, #tpu.memory_space<hbm>>
        %dma_wait3A_206 = tpu.memref_slice %arg5[%add3A_31] : memref<320000xi32, #tpu.memory_space<hbm>> -> memref<1000xi32, #tpu.memory_space<hbm>>
        tpu.wait_dma2 semaphore(%run_scoped3A : memref<!tpu.dma_semaphore, #tpu.memory_space<semaphore_mem>>) src(%dma_wait3A_206 : memref<1000xi32, #tpu.memory_space<hbm>>) dst(%arg11 : memref<1000xi32, #tpu.memory_space<vmem>>)
        tpu.yield
      }) : () -> ()
      %mul3A_37 = arith.constant 2 : i32
      %mul3A_38 = arith.muli %mul3A_37, %add3A_31 : i32
      "tpu.region"() ({
        %run_scoped3A = tpu.sem_alloc : memref<!tpu.dma_semaphore, #tpu.memory_space<semaphore_mem>>
        %dma_start3A_203 = tpu.memref_slice %arg3[%mul3A_38] : memref<640000xf32, #tpu.memory_space<hbm>> -> memref<2000xf32, #tpu.memory_space<hbm>>
        %dma_start3A_204 = tpu.memref_slice %arg3[%mul3A_38] : memref<640000xf32, #tpu.memory_space<hbm>> -> memref<2000xf32, #tpu.memory_space<hbm>>
        tpu.enqueue_dma source(%dma_start3A_204 : memref<2000xf32, #tpu.memory_space<hbm>>) target(%arg13 : memref<2000xf32, #tpu.memory_space<vmem>>) target_semaphore(%run_scoped3A : memref<!tpu.dma_semaphore, #tpu.memory_space<semaphore_mem>>)
        %dma_wait3A_205 = tpu.memref_slice %arg3[%mul3A_38] : memref<640000xf32, #tpu.memory_space<hbm>> -> memref<2000xf32, #tpu.memory_space<hbm>>
        %dma_wait3A_206 = tpu.memref_slice %arg3[%mul3A_38] : memref<640000xf32, #tpu.memory_space<hbm>> -> memref<2000xf32, #tpu.memory_space<hbm>>
        tpu.wait_dma2 semaphore(%run_scoped3A : memref<!tpu.dma_semaphore, #tpu.memory_space<semaphore_mem>>) src(%dma_wait3A_206 : memref<2000xf32, #tpu.memory_space<hbm>>) dst(%arg13 : memref<2000xf32, #tpu.memory_space<vmem>>)
        tpu.yield
      }) : () -> ()
      %dma_start3A = arith.constant 0 : i32
      %dma_start3A_39 = arith.constant 0 : i32
      %dma_start3A_40 = arith.constant 0 : i32
      %dma_start3A_41 = tpu.memref_slice %arg12[%dma_start3A_39, %dma_start3A_40] : memref<1000x32xf32, #tpu.memory_space<vmem>> -> memref<125x32xf32, #tpu.memory_space<vmem>>
      %dma_start3A_42 = arith.constant 0 : i32
      %dma_start3A_43 = tpu.memref_slice %arg10[%dma_start3A, %dma_start3A_42] : memref<8x125xi32, #tpu.memory_space<vmem>> -> memref<1x125xi32, #tpu.memory_space<vmem>>
      %dma_start3A_44 = tpu.memref_squeeze %dma_start3A_43 : memref<1x125xi32, #tpu.memory_space<vmem>> -> memref<125xi32, #tpu.memory_space<vmem>>
      %dma_start3A_45 = arith.constant 0 : i32
      %dma_start3A_46 = arith.constant 0 : i32
      %dma_start3A_47 = tpu.memref_slice %arg16[%dma_start3A_45, %dma_start3A_46] : memref<10000x32xf32, #tpu.memory_space<vmem_shared>> -> memref<10000x32xf32, #tpu.memory_space<vmem_shared>>
      tpu.enqueue_indirect_dma source(%dma_start3A_41 : memref<125x32xf32, #tpu.memory_space<vmem>>) target(%dma_start3A_47 : memref<10000x32xf32, #tpu.memory_space<vmem_shared>>) offsets(%dma_start3A_44 : memref<125xi32, #tpu.memory_space<vmem>>) semaphore(%arg18 : memref<!tpu.dma_semaphore, #tpu.memory_space<semaphore_mem>>) {add = true}
      %dma_start3A_48 = arith.constant 1 : i32
      %dma_start3A_49 = arith.constant 125 : i32
      %dma_start3A_50 = arith.constant 0 : i32
      %dma_start3A_51 = tpu.memref_slice %arg12[%dma_start3A_49, %dma_start3A_50] : memref<1000x32xf32, #tpu.memory_space<vmem>> -> memref<125x32xf32, #tpu.memory_space<vmem>>
      %dma_start3A_52 = arith.constant 0 : i32
      %dma_start3A_53 = tpu.memref_slice %arg10[%dma_start3A_48, %dma_start3A_52] : memref<8x125xi32, #tpu.memory_space<vmem>> -> memref<1x125xi32, #tpu.memory_space<vmem>>
      %dma_start3A_54 = tpu.memref_squeeze %dma_start3A_53 : memref<1x125xi32, #tpu.memory_space<vmem>> -> memref<125xi32, #tpu.memory_space<vmem>>
      %dma_start3A_55 = arith.constant 0 : i32
      %dma_start3A_56 = arith.constant 0 : i32
      %dma_start3A_57 = tpu.memref_slice %arg16[%dma_start3A_55, %dma_start3A_56] : memref<10000x32xf32, #tpu.memory_space<vmem_shared>> -> memref<10000x32xf32, #tpu.memory_space<vmem_shared>>
      tpu.enqueue_indirect_dma source(%dma_start3A_51 : memref<125x32xf32, #tpu.memory_space<vmem>>) target(%dma_start3A_57 : memref<10000x32xf32, #tpu.memory_space<vmem_shared>>) offsets(%dma_start3A_54 : memref<125xi32, #tpu.memory_space<vmem>>) semaphore(%arg18 : memref<!tpu.dma_semaphore, #tpu.memory_space<semaphore_mem>>) {add = true}
      %dma_start3A_58 = arith.constant 2 : i32
      %dma_start3A_59 = arith.constant 250 : i32
      %dma_start3A_60 = arith.constant 0 : i32
      %dma_start3A_61 = tpu.memref_slice %arg12[%dma_start3A_59, %dma_start3A_60] : memref<1000x32xf32, #tpu.memory_space<vmem>> -> memref<125x32xf32, #tpu.memory_space<vmem>>
      %dma_start3A_62 = arith.constant 0 : i32
      %dma_start3A_63 = tpu.memref_slice %arg10[%dma_start3A_58, %dma_start3A_62] : memref<8x125xi32, #tpu.memory_space<vmem>> -> memref<1x125xi32, #tpu.memory_space<vmem>>
      %dma_start3A_64 = tpu.memref_squeeze %dma_start3A_63 : memref<1x125xi32, #tpu.memory_space<vmem>> -> memref<125xi32, #tpu.memory_space<vmem>>
      %dma_start3A_65 = arith.constant 0 : i32
      %dma_start3A_66 = arith.constant 0 : i32
      %dma_start3A_67 = tpu.memref_slice %arg16[%dma_start3A_65, %dma_start3A_66] : memref<10000x32xf32, #tpu.memory_space<vmem_shared>> -> memref<10000x32xf32, #tpu.memory_space<vmem_shared>>
      tpu.enqueue_indirect_dma source(%dma_start3A_61 : memref<125x32xf32, #tpu.memory_space<vmem>>) target(%dma_start3A_67 : memref<10000x32xf32, #tpu.memory_space<vmem_shared>>) offsets(%dma_start3A_64 : memref<125xi32, #tpu.memory_space<vmem>>) semaphore(%arg18 : memref<!tpu.dma_semaphore, #tpu.memory_space<semaphore_mem>>) {add = true}
      %dma_start3A_68 = arith.constant 3 : i32
      %dma_start3A_69 = arith.constant 375 : i32
      %dma_start3A_70 = arith.constant 0 : i32
      %dma_start3A_71 = tpu.memref_slice %arg12[%dma_start3A_69, %dma_start3A_70] : memref<1000x32xf32, #tpu.memory_space<vmem>> -> memref<125x32xf32, #tpu.memory_space<vmem>>
      %dma_start3A_72 = arith.constant 0 : i32
      %dma_start3A_73 = tpu.memref_slice %arg10[%dma_start3A_68, %dma_start3A_72] : memref<8x125xi32, #tpu.memory_space<vmem>> -> memref<1x125xi32, #tpu.memory_space<vmem>>
      %dma_start3A_74 = tpu.memref_squeeze %dma_start3A_73 : memref<1x125xi32, #tpu.memory_space<vmem>> -> memref<125xi32, #tpu.memory_space<vmem>>
      %dma_start3A_75 = arith.constant 0 : i32
      %dma_start3A_76 = arith.constant 0 : i32
      %dma_start3A_77 = tpu.memref_slice %arg16[%dma_start3A_75, %dma_start3A_76] : memref<10000x32xf32, #tpu.memory_space<vmem_shared>> -> memref<10000x32xf32, #tpu.memory_space<vmem_shared>>
      tpu.enqueue_indirect_dma source(%dma_start3A_71 : memref<125x32xf32, #tpu.memory_space<vmem>>) target(%dma_start3A_77 : memref<10000x32xf32, #tpu.memory_space<vmem_shared>>) offsets(%dma_start3A_74 : memref<125xi32, #tpu.memory_space<vmem>>) semaphore(%arg18 : memref<!tpu.dma_semaphore, #tpu.memory_space<semaphore_mem>>) {add = true}
      %dma_start3A_78 = arith.constant 4 : i32
      %dma_start3A_79 = arith.constant 500 : i32
      %dma_start3A_80 = arith.constant 0 : i32
      %dma_start3A_81 = tpu.memref_slice %arg12[%dma_start3A_79, %dma_start3A_80] : memref<1000x32xf32, #tpu.memory_space<vmem>> -> memref<125x32xf32, #tpu.memory_space<vmem>>
      %dma_start3A_82 = arith.constant 0 : i32
      %dma_start3A_83 = tpu.memref_slice %arg10[%dma_start3A_78, %dma_start3A_82] : memref<8x125xi32, #tpu.memory_space<vmem>> -> memref<1x125xi32, #tpu.memory_space<vmem>>
      %dma_start3A_84 = tpu.memref_squeeze %dma_start3A_83 : memref<1x125xi32, #tpu.memory_space<vmem>> -> memref<125xi32, #tpu.memory_space<vmem>>
      %dma_start3A_85 = arith.constant 0 : i32
      %dma_start3A_86 = arith.constant 0 : i32
      %dma_start3A_87 = tpu.memref_slice %arg16[%dma_start3A_85, %dma_start3A_86] : memref<10000x32xf32, #tpu.memory_space<vmem_shared>> -> memref<10000x32xf32, #tpu.memory_space<vmem_shared>>
      tpu.enqueue_indirect_dma source(%dma_start3A_81 : memref<125x32xf32, #tpu.memory_space<vmem>>) target(%dma_start3A_87 : memref<10000x32xf32, #tpu.memory_space<vmem_shared>>) offsets(%dma_start3A_84 : memref<125xi32, #tpu.memory_space<vmem>>) semaphore(%arg18 : memref<!tpu.dma_semaphore, #tpu.memory_space<semaphore_mem>>) {add = true}
      %dma_start3A_88 = arith.constant 5 : i32
      %dma_start3A_89 = arith.constant 625 : i32
      %dma_start3A_90 = arith.constant 0 : i32
      %dma_start3A_91 = tpu.memref_slice %arg12[%dma_start3A_89, %dma_start3A_90] : memref<1000x32xf32, #tpu.memory_space<vmem>> -> memref<125x32xf32, #tpu.memory_space<vmem>>
      %dma_start3A_92 = arith.constant 0 : i32
      %dma_start3A_93 = tpu.memref_slice %arg10[%dma_start3A_88, %dma_start3A_92] : memref<8x125xi32, #tpu.memory_space<vmem>> -> memref<1x125xi32, #tpu.memory_space<vmem>>
      %dma_start3A_94 = tpu.memref_squeeze %dma_start3A_93 : memref<1x125xi32, #tpu.memory_space<vmem>> -> memref<125xi32, #tpu.memory_space<vmem>>
      %dma_start3A_95 = arith.constant 0 : i32
      %dma_start3A_96 = arith.constant 0 : i32
      %dma_start3A_97 = tpu.memref_slice %arg16[%dma_start3A_95, %dma_start3A_96] : memref<10000x32xf32, #tpu.memory_space<vmem_shared>> -> memref<10000x32xf32, #tpu.memory_space<vmem_shared>>
      tpu.enqueue_indirect_dma source(%dma_start3A_91 : memref<125x32xf32, #tpu.memory_space<vmem>>) target(%dma_start3A_97 : memref<10000x32xf32, #tpu.memory_space<vmem_shared>>) offsets(%dma_start3A_94 : memref<125xi32, #tpu.memory_space<vmem>>) semaphore(%arg18 : memref<!tpu.dma_semaphore, #tpu.memory_space<semaphore_mem>>) {add = true}
      %dma_start3A_98 = arith.constant 6 : i32
      %dma_start3A_99 = arith.constant 750 : i32
      %dma_start3A_100 = arith.constant 0 : i32
      %dma_start3A_101 = tpu.memref_slice %arg12[%dma_start3A_99, %dma_start3A_100] : memref<1000x32xf32, #tpu.memory_space<vmem>> -> memref<125x32xf32, #tpu.memory_space<vmem>>
      %dma_start3A_102 = arith.constant 0 : i32
      %dma_start3A_103 = tpu.memref_slice %arg10[%dma_start3A_98, %dma_start3A_102] : memref<8x125xi32, #tpu.memory_space<vmem>> -> memref<1x125xi32, #tpu.memory_space<vmem>>
      %dma_start3A_104 = tpu.memref_squeeze %dma_start3A_103 : memref<1x125xi32, #tpu.memory_space<vmem>> -> memref<125xi32, #tpu.memory_space<vmem>>
      %dma_start3A_105 = arith.constant 0 : i32
      %dma_start3A_106 = arith.constant 0 : i32
      %dma_start3A_107 = tpu.memref_slice %arg16[%dma_start3A_105, %dma_start3A_106] : memref<10000x32xf32, #tpu.memory_space<vmem_shared>> -> memref<10000x32xf32, #tpu.memory_space<vmem_shared>>
      tpu.enqueue_indirect_dma source(%dma_start3A_101 : memref<125x32xf32, #tpu.memory_space<vmem>>) target(%dma_start3A_107 : memref<10000x32xf32, #tpu.memory_space<vmem_shared>>) offsets(%dma_start3A_104 : memref<125xi32, #tpu.memory_space<vmem>>) semaphore(%arg18 : memref<!tpu.dma_semaphore, #tpu.memory_space<semaphore_mem>>) {add = true}
      %dma_start3A_108 = arith.constant 7 : i32
      %dma_start3A_109 = arith.constant 875 : i32
      %dma_start3A_110 = arith.constant 0 : i32
      %dma_start3A_111 = tpu.memref_slice %arg12[%dma_start3A_109, %dma_start3A_110] : memref<1000x32xf32, #tpu.memory_space<vmem>> -> memref<125x32xf32, #tpu.memory_space<vmem>>
      %dma_start3A_112 = arith.constant 0 : i32
      %dma_start3A_113 = tpu.memref_slice %arg10[%dma_start3A_108, %dma_start3A_112] : memref<8x125xi32, #tpu.memory_space<vmem>> -> memref<1x125xi32, #tpu.memory_space<vmem>>
      %dma_start3A_114 = tpu.memref_squeeze %dma_start3A_113 : memref<1x125xi32, #tpu.memory_space<vmem>> -> memref<125xi32, #tpu.memory_space<vmem>>
      %dma_start3A_115 = arith.constant 0 : i32
      %dma_start3A_116 = arith.constant 0 : i32
      %dma_start3A_117 = tpu.memref_slice %arg16[%dma_start3A_115, %dma_start3A_116] : memref<10000x32xf32, #tpu.memory_space<vmem_shared>> -> memref<10000x32xf32, #tpu.memory_space<vmem_shared>>
      tpu.enqueue_indirect_dma source(%dma_start3A_111 : memref<125x32xf32, #tpu.memory_space<vmem>>) target(%dma_start3A_117 : memref<10000x32xf32, #tpu.memory_space<vmem_shared>>) offsets(%dma_start3A_114 : memref<125xi32, #tpu.memory_space<vmem>>) semaphore(%arg18 : memref<!tpu.dma_semaphore, #tpu.memory_space<semaphore_mem>>) {add = true}
      %scan3A_118 = arith.constant 0 : i32
      %scan3A_119 = arith.constant 0 : i32
      %scan3A_120 = arith.constant 125 : i32
      %scan3A_121 = arith.addi %scan3A_119, %scan3A_120 : i32
      %scan3A_122 = arith.constant 1 : i32
      scf.for %scan3A_203 = %scan3A_119 to %scan3A_121 step %scan3A_122  : i32 {
        %mul3A_204 = arith.constant 16 : i32
        %mul3A_205 = arith.muli %scan3A_203, %mul3A_204 : i32
        %get3A = arith.index_cast %mul3A_205 : i32 to index
        %get3A_206 = tpu.vector_load %arg13[%get3A] {strides = array<i32>} : memref<2000xf32, #tpu.memory_space<vmem>>, vector<16xf32>,
        %mul3A_207 = arith.constant 8 : i32
        %mul3A_208 = arith.muli %scan3A_203, %mul3A_207 : i32
        %shift_right_arithmetic3A = arith.constant 1 : i32
        %shift_right_arithmetic3A_209 = vector.broadcast %shift_right_arithmetic3A : i32 to vector<16xi32>
        %shift_right_arithmetic3A_210 = arith.shrsi %iota3A, %shift_right_arithmetic3A_209 : vector<16xi32>
        %add3A_211 = vector.broadcast %mul3A_208 : i32 to vector<16xi32>
        %add3A_212 = arith.addi %add3A_211, %shift_right_arithmetic3A_210 : vector<16xi32>
        %gather3A = tpu.vector_load_idx %arg11[%add3A_212] : memref<1000xi32, #tpu.memory_space<vmem>>[vector<16xi32>], vector<16xi32>,
        %mul3A_213 = arith.constant 2 : i32
        %mul3A_214 = vector.broadcast %mul3A_213 : i32 to vector<16xi32>
        %mul3A_215 = arith.muli %gather3A, %mul3A_214 : vector<16xi32>
        %and3A = arith.constant 1 : i32
        %and3A_216 = vector.broadcast %and3A : i32 to vector<16xi32>
        %and3A_217 = arith.andi %iota3A, %and3A_216 : vector<16xi32>
        %add3A_218 = arith.addi %mul3A_215, %and3A_217 : vector<16xi32>
        %shift_right_arithmetic3A_219 = arith.constant 11 : i32
        %shift_right_arithmetic3A_220 = vector.broadcast %shift_right_arithmetic3A_219 : i32 to vector<16xi32>
        %shift_right_arithmetic3A_221 = arith.shrsi %add3A_218, %shift_right_arithmetic3A_220 : vector<16xi32>
        %and3A_222 = arith.constant 2047 : i32
        %and3A_223 = vector.broadcast %and3A_222 : i32 to vector<16xi32>
        %and3A_224 = arith.andi %add3A_218, %and3A_223 : vector<16xi32>
        tpu.vector_store_idx %arg14[%shift_right_arithmetic3A_221, %and3A_224], %get3A_206 {add = true} : memref<16x2048xf32, #tpu.memory_space<vmem>>[vector<16xi32>, vector<16xi32>], vector<16xf32>,
      }
      %scan3A_123 = arith.constant 125 : i32
      %dma_wait3A = arith.constant 0 : i32
      %dma_wait3A_124 = arith.constant 0 : i32
      %dma_wait3A_125 = arith.constant 0 : i32
      %dma_wait3A_126 = tpu.memref_slice %arg12[%dma_wait3A_124, %dma_wait3A_125] : memref<1000x32xf32, #tpu.memory_space<vmem>> -> memref<125x32xf32, #tpu.memory_space<vmem>>
      %dma_wait3A_127 = arith.constant 0 : i32
      %dma_wait3A_128 = tpu.memref_slice %arg10[%dma_wait3A, %dma_wait3A_127] : memref<8x125xi32, #tpu.memory_space<vmem>> -> memref<1x125xi32, #tpu.memory_space<vmem>>
      %dma_wait3A_129 = tpu.memref_squeeze %dma_wait3A_128 : memref<1x125xi32, #tpu.memory_space<vmem>> -> memref<125xi32, #tpu.memory_space<vmem>>
      %dma_wait3A_130 = arith.constant 0 : i32
      %dma_wait3A_131 = arith.constant 0 : i32
      %dma_wait3A_132 = tpu.memref_slice %arg16[%dma_wait3A_130, %dma_wait3A_131] : memref<10000x32xf32, #tpu.memory_space<vmem_shared>> -> memref<10000x32xf32, #tpu.memory_space<vmem_shared>>
      tpu.wait_indirect_dma semaphore(%arg18 : memref<!tpu.dma_semaphore, #tpu.memory_space<semaphore_mem>>) src(%dma_wait3A_126 : memref<125x32xf32, #tpu.memory_space<vmem>>) dst(%dma_wait3A_132 : memref<10000x32xf32, #tpu.memory_space<vmem_shared>>)
      %dma_wait3A_133 = arith.constant 1 : i32
      %dma_wait3A_134 = arith.constant 125 : i32
      %dma_wait3A_135 = arith.constant 0 : i32
      %dma_wait3A_136 = tpu.memref_slice %arg12[%dma_wait3A_134, %dma_wait3A_135] : memref<1000x32xf32, #tpu.memory_space<vmem>> -> memref<125x32xf32, #tpu.memory_space<vmem>>
      %dma_wait3A_137 = arith.constant 0 : i32
      %dma_wait3A_138 = tpu.memref_slice %arg10[%dma_wait3A_133, %dma_wait3A_137] : memref<8x125xi32, #tpu.memory_space<vmem>> -> memref<1x125xi32, #tpu.memory_space<vmem>>
      %dma_wait3A_139 = tpu.memref_squeeze %dma_wait3A_138 : memref<1x125xi32, #tpu.memory_space<vmem>> -> memref<125xi32, #tpu.memory_space<vmem>>
      %dma_wait3A_140 = arith.constant 0 : i32
      %dma_wait3A_141 = arith.constant 0 : i32
      %dma_wait3A_142 = tpu.memref_slice %arg16[%dma_wait3A_140, %dma_wait3A_141] : memref<10000x32xf32, #tpu.memory_space<vmem_shared>> -> memref<10000x32xf32, #tpu.memory_space<vmem_shared>>
      tpu.wait_indirect_dma semaphore(%arg18 : memref<!tpu.dma_semaphore, #tpu.memory_space<semaphore_mem>>) src(%dma_wait3A_136 : memref<125x32xf32, #tpu.memory_space<vmem>>) dst(%dma_wait3A_142 : memref<10000x32xf32, #tpu.memory_space<vmem_shared>>)
      %dma_wait3A_143 = arith.constant 2 : i32
      %dma_wait3A_144 = arith.constant 250 : i32
      %dma_wait3A_145 = arith.constant 0 : i32
      %dma_wait3A_146 = tpu.memref_slice %arg12[%dma_wait3A_144, %dma_wait3A_145] : memref<1000x32xf32, #tpu.memory_space<vmem>> -> memref<125x32xf32, #tpu.memory_space<vmem>>
      %dma_wait3A_147 = arith.constant 0 : i32
      %dma_wait3A_148 = tpu.memref_slice %arg10[%dma_wait3A_143, %dma_wait3A_147] : memref<8x125xi32, #tpu.memory_space<vmem>> -> memref<1x125xi32, #tpu.memory_space<vmem>>
      %dma_wait3A_149 = tpu.memref_squeeze %dma_wait3A_148 : memref<1x125xi32, #tpu.memory_space<vmem>> -> memref<125xi32, #tpu.memory_space<vmem>>
      %dma_wait3A_150 = arith.constant 0 : i32
      %dma_wait3A_151 = arith.constant 0 : i32
      %dma_wait3A_152 = tpu.memref_slice %arg16[%dma_wait3A_150, %dma_wait3A_151] : memref<10000x32xf32, #tpu.memory_space<vmem_shared>> -> memref<10000x32xf32, #tpu.memory_space<vmem_shared>>
      tpu.wait_indirect_dma semaphore(%arg18 : memref<!tpu.dma_semaphore, #tpu.memory_space<semaphore_mem>>) src(%dma_wait3A_146 : memref<125x32xf32, #tpu.memory_space<vmem>>) dst(%dma_wait3A_152 : memref<10000x32xf32, #tpu.memory_space<vmem_shared>>)
      %dma_wait3A_153 = arith.constant 3 : i32
      %dma_wait3A_154 = arith.constant 375 : i32
      %dma_wait3A_155 = arith.constant 0 : i32
      %dma_wait3A_156 = tpu.memref_slice %arg12[%dma_wait3A_154, %dma_wait3A_155] : memref<1000x32xf32, #tpu.memory_space<vmem>> -> memref<125x32xf32, #tpu.memory_space<vmem>>
      %dma_wait3A_157 = arith.constant 0 : i32
      %dma_wait3A_158 = tpu.memref_slice %arg10[%dma_wait3A_153, %dma_wait3A_157] : memref<8x125xi32, #tpu.memory_space<vmem>> -> memref<1x125xi32, #tpu.memory_space<vmem>>
      %dma_wait3A_159 = tpu.memref_squeeze %dma_wait3A_158 : memref<1x125xi32, #tpu.memory_space<vmem>> -> memref<125xi32, #tpu.memory_space<vmem>>
      %dma_wait3A_160 = arith.constant 0 : i32
      %dma_wait3A_161 = arith.constant 0 : i32
      %dma_wait3A_162 = tpu.memref_slice %arg16[%dma_wait3A_160, %dma_wait3A_161] : memref<10000x32xf32, #tpu.memory_space<vmem_shared>> -> memref<10000x32xf32, #tpu.memory_space<vmem_shared>>
      tpu.wait_indirect_dma semaphore(%arg18 : memref<!tpu.dma_semaphore, #tpu.memory_space<semaphore_mem>>) src(%dma_wait3A_156 : memref<125x32xf32, #tpu.memory_space<vmem>>) dst(%dma_wait3A_162 : memref<10000x32xf32, #tpu.memory_space<vmem_shared>>)
      %dma_wait3A_163 = arith.constant 4 : i32
      %dma_wait3A_164 = arith.constant 500 : i32
      %dma_wait3A_165 = arith.constant 0 : i32
      %dma_wait3A_166 = tpu.memref_slice %arg12[%dma_wait3A_164, %dma_wait3A_165] : memref<1000x32xf32, #tpu.memory_space<vmem>> -> memref<125x32xf32, #tpu.memory_space<vmem>>
      %dma_wait3A_167 = arith.constant 0 : i32
      %dma_wait3A_168 = tpu.memref_slice %arg10[%dma_wait3A_163, %dma_wait3A_167] : memref<8x125xi32, #tpu.memory_space<vmem>> -> memref<1x125xi32, #tpu.memory_space<vmem>>
      %dma_wait3A_169 = tpu.memref_squeeze %dma_wait3A_168 : memref<1x125xi32, #tpu.memory_space<vmem>> -> memref<125xi32, #tpu.memory_space<vmem>>
      %dma_wait3A_170 = arith.constant 0 : i32
      %dma_wait3A_171 = arith.constant 0 : i32
      %dma_wait3A_172 = tpu.memref_slice %arg16[%dma_wait3A_170, %dma_wait3A_171] : memref<10000x32xf32, #tpu.memory_space<vmem_shared>> -> memref<10000x32xf32, #tpu.memory_space<vmem_shared>>
      tpu.wait_indirect_dma semaphore(%arg18 : memref<!tpu.dma_semaphore, #tpu.memory_space<semaphore_mem>>) src(%dma_wait3A_166 : memref<125x32xf32, #tpu.memory_space<vmem>>) dst(%dma_wait3A_172 : memref<10000x32xf32, #tpu.memory_space<vmem_shared>>)
      %dma_wait3A_173 = arith.constant 5 : i32
      %dma_wait3A_174 = arith.constant 625 : i32
      %dma_wait3A_175 = arith.constant 0 : i32
      %dma_wait3A_176 = tpu.memref_slice %arg12[%dma_wait3A_174, %dma_wait3A_175] : memref<1000x32xf32, #tpu.memory_space<vmem>> -> memref<125x32xf32, #tpu.memory_space<vmem>>
      %dma_wait3A_177 = arith.constant 0 : i32
      %dma_wait3A_178 = tpu.memref_slice %arg10[%dma_wait3A_173, %dma_wait3A_177] : memref<8x125xi32, #tpu.memory_space<vmem>> -> memref<1x125xi32, #tpu.memory_space<vmem>>
      %dma_wait3A_179 = tpu.memref_squeeze %dma_wait3A_178 : memref<1x125xi32, #tpu.memory_space<vmem>> -> memref<125xi32, #tpu.memory_space<vmem>>
      %dma_wait3A_180 = arith.constant 0 : i32
      %dma_wait3A_181 = arith.constant 0 : i32
      %dma_wait3A_182 = tpu.memref_slice %arg16[%dma_wait3A_180, %dma_wait3A_181] : memref<10000x32xf32, #tpu.memory_space<vmem_shared>> -> memref<10000x32xf32, #tpu.memory_space<vmem_shared>>
      tpu.wait_indirect_dma semaphore(%arg18 : memref<!tpu.dma_semaphore, #tpu.memory_space<semaphore_mem>>) src(%dma_wait3A_176 : memref<125x32xf32, #tpu.memory_space<vmem>>) dst(%dma_wait3A_182 : memref<10000x32xf32, #tpu.memory_space<vmem_shared>>)
      %dma_wait3A_183 = arith.constant 6 : i32
      %dma_wait3A_184 = arith.constant 750 : i32
      %dma_wait3A_185 = arith.constant 0 : i32
      %dma_wait3A_186 = tpu.memref_slice %arg12[%dma_wait3A_184, %dma_wait3A_185] : memref<1000x32xf32, #tpu.memory_space<vmem>> -> memref<125x32xf32, #tpu.memory_space<vmem>>
      %dma_wait3A_187 = arith.constant 0 : i32
      %dma_wait3A_188 = tpu.memref_slice %arg10[%dma_wait3A_183, %dma_wait3A_187] : memref<8x125xi32, #tpu.memory_space<vmem>> -> memref<1x125xi32, #tpu.memory_space<vmem>>
      %dma_wait3A_189 = tpu.memref_squeeze %dma_wait3A_188 : memref<1x125xi32, #tpu.memory_space<vmem>> -> memref<125xi32, #tpu.memory_space<vmem>>
      %dma_wait3A_190 = arith.constant 0 : i32
      %dma_wait3A_191 = arith.constant 0 : i32
      %dma_wait3A_192 = tpu.memref_slice %arg16[%dma_wait3A_190, %dma_wait3A_191] : memref<10000x32xf32, #tpu.memory_space<vmem_shared>> -> memref<10000x32xf32, #tpu.memory_space<vmem_shared>>
      tpu.wait_indirect_dma semaphore(%arg18 : memref<!tpu.dma_semaphore, #tpu.memory_space<semaphore_mem>>) src(%dma_wait3A_186 : memref<125x32xf32, #tpu.memory_space<vmem>>) dst(%dma_wait3A_192 : memref<10000x32xf32, #tpu.memory_space<vmem_shared>>)
      %dma_wait3A_193 = arith.constant 7 : i32
      %dma_wait3A_194 = arith.constant 875 : i32
      %dma_wait3A_195 = arith.constant 0 : i32
      %dma_wait3A_196 = tpu.memref_slice %arg12[%dma_wait3A_194, %dma_wait3A_195] : memref<1000x32xf32, #tpu.memory_space<vmem>> -> memref<125x32xf32, #tpu.memory_space<vmem>>
      %dma_wait3A_197 = arith.constant 0 : i32
      %dma_wait3A_198 = tpu.memref_slice %arg10[%dma_wait3A_193, %dma_wait3A_197] : memref<8x125xi32, #tpu.memory_space<vmem>> -> memref<1x125xi32, #tpu.memory_space<vmem>>
      %dma_wait3A_199 = tpu.memref_squeeze %dma_wait3A_198 : memref<1x125xi32, #tpu.memory_space<vmem>> -> memref<125xi32, #tpu.memory_space<vmem>>
      %dma_wait3A_200 = arith.constant 0 : i32
      %dma_wait3A_201 = arith.constant 0 : i32
      %dma_wait3A_202 = tpu.memref_slice %arg16[%dma_wait3A_200, %dma_wait3A_201] : memref<10000x32xf32, #tpu.memory_space<vmem_shared>> -> memref<10000x32xf32, #tpu.memory_space<vmem_shared>>
      tpu.wait_indirect_dma semaphore(%arg18 : memref<!tpu.dma_semaphore, #tpu.memory_space<semaphore_mem>>) src(%dma_wait3A_196 : memref<125x32xf32, #tpu.memory_space<vmem>>) dst(%dma_wait3A_202 : memref<10000x32xf32, #tpu.memory_space<vmem_shared>>)
    }
    %scan3A_12 = arith.constant 10 : i32
    "tpu.region"() ({
      %run_scoped3A = tpu.sem_alloc : memref<!tpu.dma_semaphore, #tpu.memory_space<semaphore_mem>>
      %dma_start3A = arith.constant 0 : i32
      %dma_start3A_26 = arith.constant 0 : i32
      %dma_start3A_27 = tpu.memref_slice %arg17[%dma_start3A, %dma_start3A_26] : memref<16x2048xf32, #tpu.memory_space<vmem_shared>> -> memref<16x2048xf32, #tpu.memory_space<vmem_shared>>
      tpu.enqueue_indirect_dma source(%arg14 : memref<16x2048xf32, #tpu.memory_space<vmem>>) target(%dma_start3A_27 : memref<16x2048xf32, #tpu.memory_space<vmem_shared>>) offsets(%arg15 : memref<16xi32, #tpu.memory_space<vmem>>) semaphore(%run_scoped3A : memref<!tpu.dma_semaphore, #tpu.memory_space<semaphore_mem>>) {add = true}
      %dma_wait3A = arith.constant 0 : i32
      %dma_wait3A_28 = arith.constant 0 : i32
      %dma_wait3A_29 = tpu.memref_slice %arg17[%dma_wait3A, %dma_wait3A_28] : memref<16x2048xf32, #tpu.memory_space<vmem_shared>> -> memref<16x2048xf32, #tpu.memory_space<vmem_shared>>
      tpu.wait_indirect_dma semaphore(%run_scoped3A : memref<!tpu.dma_semaphore, #tpu.memory_space<semaphore_mem>>) src(%arg14 : memref<16x2048xf32, #tpu.memory_space<vmem>>) dst(%dma_wait3A_29 : memref<16x2048xf32, #tpu.memory_space<vmem_shared>>)
      tpu.yield
    }) : () -> ()
    %barrier3A_13 = arith.constant 0 : index
    tpu.barrier barrier_id(%barrier3A_13)
    %mul3A_14 = arith.constant 625 : i32
    %mul3A_15 = arith.muli %arg1, %mul3A_14 : i32
    %mul3A_16 = arith.constant 10000 : i32
    %mul3A_17 = arith.muli %arg0, %mul3A_16 : i32
    %mul3A_18 = arith.constant 625 : i32
    %mul3A_19 = arith.muli %arg1, %mul3A_18 : i32
    %add3A_20 = arith.addi %mul3A_17, %mul3A_19 : i32
    "tpu.region"() ({
      %run_scoped3A = tpu.sem_alloc : memref<!tpu.dma_semaphore, #tpu.memory_space<semaphore_mem>>
      %dma_start3A = arith.constant 0 : i32
      %dma_start3A_26 = tpu.memref_slice %arg8[%add3A_20, %dma_start3A] : memref<20000x32xf32, #tpu.memory_space<hbm>> -> memref<625x32xf32, #tpu.memory_space<hbm>>
      %dma_start3A_27 = arith.constant 0 : i32
      %dma_start3A_28 = tpu.memref_slice %arg16[%mul3A_15, %dma_start3A_27] : memref<10000x32xf32, #tpu.memory_space<vmem_shared>> -> memref<625x32xf32, #tpu.memory_space<vmem_shared>>
      tpu.enqueue_dma source(%dma_start3A_28 : memref<625x32xf32, #tpu.memory_space<vmem_shared>>) target(%dma_start3A_26 : memref<625x32xf32, #tpu.memory_space<hbm>>) target_semaphore(%run_scoped3A : memref<!tpu.dma_semaphore, #tpu.memory_space<semaphore_mem>>)
      %dma_wait3A = arith.constant 0 : i32
      %dma_wait3A_29 = tpu.memref_slice %arg8[%add3A_20, %dma_wait3A] : memref<20000x32xf32, #tpu.memory_space<hbm>> -> memref<625x32xf32, #tpu.memory_space<hbm>>
      %dma_wait3A_30 = arith.constant 0 : i32
      %dma_wait3A_31 = tpu.memref_slice %arg16[%mul3A_15, %dma_wait3A_30] : memref<10000x32xf32, #tpu.memory_space<vmem_shared>> -> memref<625x32xf32, #tpu.memory_space<vmem_shared>>
      tpu.wait_dma2 semaphore(%run_scoped3A : memref<!tpu.dma_semaphore, #tpu.memory_space<semaphore_mem>>) src(%dma_wait3A_31 : memref<625x32xf32, #tpu.memory_space<vmem_shared>>) dst(%dma_wait3A_29 : memref<625x32xf32, #tpu.memory_space<hbm>>)
      tpu.yield
    }) : () -> ()
    %eq3A_21 = arith.constant 0 : i32
    %eq3A_22 = arith.cmpi eq, %arg1, %eq3A_21 : i32
    %convert_element_type3A_23 = arith.extui %eq3A_22 : i1 to i32
    %cond3A_24 = arith.constant 0 : i32
    %cond3A_25 = arith.cmpi ne, %convert_element_type3A_23, %cond3A_24 : i32
    scf.if %cond3A_25 {
      %mul3A_26 = arith.constant 16 : i32
      %mul3A_27 = arith.muli %arg0, %mul3A_26 : i32
      "tpu.region"() ({
        %run_scoped3A = tpu.sem_alloc : memref<!tpu.dma_semaphore, #tpu.memory_space<semaphore_mem>>
        %dma_start3A = arith.constant 0 : i32
        %dma_start3A_28 = tpu.memref_slice %arg9[%mul3A_27, %dma_start3A] : memref<32x2048xf32, #tpu.memory_space<hbm>> -> memref<16x2048xf32, #tpu.memory_space<hbm>>
        tpu.enqueue_dma source(%arg17 : memref<16x2048xf32, #tpu.memory_space<vmem_shared>>) target(%dma_start3A_28 : memref<16x2048xf32, #tpu.memory_space<hbm>>) target_semaphore(%run_scoped3A : memref<!tpu.dma_semaphore, #tpu.memory_space<semaphore_mem>>)
        %dma_wait3A = arith.constant 0 : i32
        %dma_wait3A_29 = tpu.memref_slice %arg9[%mul3A_27, %dma_wait3A] : memref<32x2048xf32, #tpu.memory_space<hbm>> -> memref<16x2048xf32, #tpu.memory_space<hbm>>
        tpu.wait_dma2 semaphore(%run_scoped3A : memref<!tpu.dma_semaphore, #tpu.memory_space<semaphore_mem>>) src(%arg17 : memref<16x2048xf32, #tpu.memory_space<vmem_shared>>) dst(%dma_wait3A_29 : memref<16x2048xf32, #tpu.memory_space<hbm>>)
        tpu.yield
      }) : () -> ()
    } else {
    }
    return
  }
}

#map = affine_map<(d0, d1) -> (0, 0)>
module attributes {stable_mosaic.version = 14 : i64} {
  func.func @_gather_body(%arg0: i32, %arg1: i32, %arg2: memref<10000x32xf32, #tpu.memory_space<hbm>>, %arg3: memref<10000x32xf32, #tpu.memory_space<hbm>>, %arg4: memref<2560x125xi32, #tpu.memory_space<hbm>>, %arg5: memref<2560x125xi32, #tpu.memory_space<hbm>>, %arg6: memref<320000x32xf32, #tpu.memory_space<hbm>>, %arg7: memref<320000x32xf32, #tpu.memory_space<hbm>>, %arg8: memref<8x125xi32, #tpu.memory_space<vmem>>, %arg9: memref<8x125xi32, #tpu.memory_space<vmem>>, %arg10: memref<1000x32xf32, #tpu.memory_space<vmem>>, %arg11: memref<1000x32xf32, #tpu.memory_space<vmem>>, %arg12: memref<!tpu.dma_semaphore, #tpu.memory_space<semaphore_mem>>) attributes {dimension_semantics = [#tpu.dimension_semantics<core_parallel>, #tpu.dimension_semantics<subcore_parallel>], iteration_bounds = array<i64: 2, 16>, scalar_prefetch = 0 : i64, scratch_operands = 5 : i64, tpu.core_type = #tpu.core_type<sc_vector_subcore>, window_params = [{transform_indices = #map}, {transform_indices = #map}, {transform_indices = #map}, {transform_indices = #map}, {transform_indices = #map}, {transform_indices = #map}]} {
    %mul3A = arith.constant 16 : i32
    %mul3A_0 = arith.muli %arg0, %mul3A : i32
    %add3A = arith.addi %mul3A_0, %arg1 : i32
    %scan3A = arith.constant 0 : i32
    %scan3A_1 = arith.constant 0 : i32
    %scan3A_2 = arith.constant 10 : i32
    %scan3A_3 = arith.addi %scan3A_1, %scan3A_2 : i32
    %scan3A_4 = arith.constant 1 : i32
    scf.for %scan3A_6 = %scan3A_1 to %scan3A_3 step %scan3A_4  : i32 {
      %mul3A_7 = arith.constant 10000 : i32
      %mul3A_8 = arith.muli %add3A, %mul3A_7 : i32
      %mul3A_9 = arith.constant 1000 : i32
      %mul3A_10 = arith.muli %scan3A_6, %mul3A_9 : i32
      %add3A_11 = arith.addi %mul3A_8, %mul3A_10 : i32
      %mul3A_12 = arith.constant 80 : i32
      %mul3A_13 = arith.muli %add3A, %mul3A_12 : i32
      %mul3A_14 = arith.constant 8 : i32
      %mul3A_15 = arith.muli %scan3A_6, %mul3A_14 : i32
      %add3A_16 = arith.addi %mul3A_13, %mul3A_15 : i32
      "tpu.region"() ({
        %run_scoped3A = tpu.sem_alloc : memref<!tpu.dma_semaphore, #tpu.memory_space<semaphore_mem>>
        %dma_start3A_335 = arith.constant 0 : i32
        %dma_start3A_336 = tpu.memref_slice %arg4[%add3A_16, %dma_start3A_335] : memref<2560x125xi32, #tpu.memory_space<hbm>> -> memref<8x125xi32, #tpu.memory_space<hbm>>
        %dma_start3A_337 = arith.constant 0 : i32
        %dma_start3A_338 = tpu.memref_slice %arg4[%add3A_16, %dma_start3A_337] : memref<2560x125xi32, #tpu.memory_space<hbm>> -> memref<8x125xi32, #tpu.memory_space<hbm>>
        tpu.enqueue_dma source(%dma_start3A_338 : memref<8x125xi32, #tpu.memory_space<hbm>>) target(%arg8 : memref<8x125xi32, #tpu.memory_space<vmem>>) target_semaphore(%run_scoped3A : memref<!tpu.dma_semaphore, #tpu.memory_space<semaphore_mem>>)
        %dma_wait3A_339 = arith.constant 0 : i32
        %dma_wait3A_340 = tpu.memref_slice %arg4[%add3A_16, %dma_wait3A_339] : memref<2560x125xi32, #tpu.memory_space<hbm>> -> memref<8x125xi32, #tpu.memory_space<hbm>>
        %dma_wait3A_341 = arith.constant 0 : i32
        %dma_wait3A_342 = tpu.memref_slice %arg4[%add3A_16, %dma_wait3A_341] : memref<2560x125xi32, #tpu.memory_space<hbm>> -> memref<8x125xi32, #tpu.memory_space<hbm>>
        tpu.wait_dma2 semaphore(%run_scoped3A : memref<!tpu.dma_semaphore, #tpu.memory_space<semaphore_mem>>) src(%dma_wait3A_342 : memref<8x125xi32, #tpu.memory_space<hbm>>) dst(%arg8 : memref<8x125xi32, #tpu.memory_space<vmem>>)
        tpu.yield
      }) : () -> ()
      "tpu.region"() ({
        %run_scoped3A = tpu.sem_alloc : memref<!tpu.dma_semaphore, #tpu.memory_space<semaphore_mem>>
        %dma_start3A_335 = arith.constant 0 : i32
        %dma_start3A_336 = tpu.memref_slice %arg5[%add3A_16, %dma_start3A_335] : memref<2560x125xi32, #tpu.memory_space<hbm>> -> memref<8x125xi32, #tpu.memory_space<hbm>>
        %dma_start3A_337 = arith.constant 0 : i32
        %dma_start3A_338 = tpu.memref_slice %arg5[%add3A_16, %dma_start3A_337] : memref<2560x125xi32, #tpu.memory_space<hbm>> -> memref<8x125xi32, #tpu.memory_space<hbm>>
        tpu.enqueue_dma source(%dma_start3A_338 : memref<8x125xi32, #tpu.memory_space<hbm>>) target(%arg9 : memref<8x125xi32, #tpu.memory_space<vmem>>) target_semaphore(%run_scoped3A : memref<!tpu.dma_semaphore, #tpu.memory_space<semaphore_mem>>)
        %dma_wait3A_339 = arith.constant 0 : i32
        %dma_wait3A_340 = tpu.memref_slice %arg5[%add3A_16, %dma_wait3A_339] : memref<2560x125xi32, #tpu.memory_space<hbm>> -> memref<8x125xi32, #tpu.memory_space<hbm>>
        %dma_wait3A_341 = arith.constant 0 : i32
        %dma_wait3A_342 = tpu.memref_slice %arg5[%add3A_16, %dma_wait3A_341] : memref<2560x125xi32, #tpu.memory_space<hbm>> -> memref<8x125xi32, #tpu.memory_space<hbm>>
        tpu.wait_dma2 semaphore(%run_scoped3A : memref<!tpu.dma_semaphore, #tpu.memory_space<semaphore_mem>>) src(%dma_wait3A_342 : memref<8x125xi32, #tpu.memory_space<hbm>>) dst(%arg9 : memref<8x125xi32, #tpu.memory_space<vmem>>)
        tpu.yield
      }) : () -> ()
      %dma_start3A = arith.constant 0 : i32
      %dma_start3A_17 = arith.constant 0 : i32
      %dma_start3A_18 = arith.constant 0 : i32
      %dma_start3A_19 = tpu.memref_slice %arg10[%dma_start3A_17, %dma_start3A_18] : memref<1000x32xf32, #tpu.memory_space<vmem>> -> memref<125x32xf32, #tpu.memory_space<vmem>>
      %dma_start3A_20 = arith.constant 0 : i32
      %dma_start3A_21 = tpu.memref_slice %arg8[%dma_start3A, %dma_start3A_20] : memref<8x125xi32, #tpu.memory_space<vmem>> -> memref<1x125xi32, #tpu.memory_space<vmem>>
      %dma_start3A_22 = tpu.memref_squeeze %dma_start3A_21 : memref<1x125xi32, #tpu.memory_space<vmem>> -> memref<125xi32, #tpu.memory_space<vmem>>
      %dma_start3A_23 = arith.constant 0 : i32
      %dma_start3A_24 = arith.constant 0 : i32
      %dma_start3A_25 = tpu.memref_slice %arg2[%dma_start3A_23, %dma_start3A_24] : memref<10000x32xf32, #tpu.memory_space<hbm>> -> memref<10000x32xf32, #tpu.memory_space<hbm>>
      tpu.enqueue_indirect_dma source(%dma_start3A_25 : memref<10000x32xf32, #tpu.memory_space<hbm>>) target(%dma_start3A_19 : memref<125x32xf32, #tpu.memory_space<vmem>>) offsets(%dma_start3A_22 : memref<125xi32, #tpu.memory_space<vmem>>) semaphore(%arg12 : memref<!tpu.dma_semaphore, #tpu.memory_space<semaphore_mem>>)
      %dma_start3A_26 = arith.constant 0 : i32
      %dma_start3A_27 = arith.constant 0 : i32
      %dma_start3A_28 = arith.constant 0 : i32
      %dma_start3A_29 = tpu.memref_slice %arg11[%dma_start3A_27, %dma_start3A_28] : memref<1000x32xf32, #tpu.memory_space<vmem>> -> memref<125x32xf32, #tpu.memory_space<vmem>>
      %dma_start3A_30 = arith.constant 0 : i32
      %dma_start3A_31 = tpu.memref_slice %arg9[%dma_start3A_26, %dma_start3A_30] : memref<8x125xi32, #tpu.memory_space<vmem>> -> memref<1x125xi32, #tpu.memory_space<vmem>>
      %dma_start3A_32 = tpu.memref_squeeze %dma_start3A_31 : memref<1x125xi32, #tpu.memory_space<vmem>> -> memref<125xi32, #tpu.memory_space<vmem>>
      %dma_start3A_33 = arith.constant 0 : i32
      %dma_start3A_34 = arith.constant 0 : i32
      %dma_start3A_35 = tpu.memref_slice %arg3[%dma_start3A_33, %dma_start3A_34] : memref<10000x32xf32, #tpu.memory_space<hbm>> -> memref<10000x32xf32, #tpu.memory_space<hbm>>
      tpu.enqueue_indirect_dma source(%dma_start3A_35 : memref<10000x32xf32, #tpu.memory_space<hbm>>) target(%dma_start3A_29 : memref<125x32xf32, #tpu.memory_space<vmem>>) offsets(%dma_start3A_32 : memref<125xi32, #tpu.memory_space<vmem>>) semaphore(%arg12 : memref<!tpu.dma_semaphore, #tpu.memory_space<semaphore_mem>>)
      %dma_start3A_36 = arith.constant 1 : i32
      %dma_start3A_37 = arith.constant 125 : i32
      %dma_start3A_38 = arith.constant 0 : i32
      %dma_start3A_39 = tpu.memref_slice %arg10[%dma_start3A_37, %dma_start3A_38] : memref<1000x32xf32, #tpu.memory_space<vmem>> -> memref<125x32xf32, #tpu.memory_space<vmem>>
      %dma_start3A_40 = arith.constant 0 : i32
      %dma_start3A_41 = tpu.memref_slice %arg8[%dma_start3A_36, %dma_start3A_40] : memref<8x125xi32, #tpu.memory_space<vmem>> -> memref<1x125xi32, #tpu.memory_space<vmem>>
      %dma_start3A_42 = tpu.memref_squeeze %dma_start3A_41 : memref<1x125xi32, #tpu.memory_space<vmem>> -> memref<125xi32, #tpu.memory_space<vmem>>
      %dma_start3A_43 = arith.constant 0 : i32
      %dma_start3A_44 = arith.constant 0 : i32
      %dma_start3A_45 = tpu.memref_slice %arg2[%dma_start3A_43, %dma_start3A_44] : memref<10000x32xf32, #tpu.memory_space<hbm>> -> memref<10000x32xf32, #tpu.memory_space<hbm>>
      tpu.enqueue_indirect_dma source(%dma_start3A_45 : memref<10000x32xf32, #tpu.memory_space<hbm>>) target(%dma_start3A_39 : memref<125x32xf32, #tpu.memory_space<vmem>>) offsets(%dma_start3A_42 : memref<125xi32, #tpu.memory_space<vmem>>) semaphore(%arg12 : memref<!tpu.dma_semaphore, #tpu.memory_space<semaphore_mem>>)
      %dma_start3A_46 = arith.constant 1 : i32
      %dma_start3A_47 = arith.constant 125 : i32
      %dma_start3A_48 = arith.constant 0 : i32
      %dma_start3A_49 = tpu.memref_slice %arg11[%dma_start3A_47, %dma_start3A_48] : memref<1000x32xf32, #tpu.memory_space<vmem>> -> memref<125x32xf32, #tpu.memory_space<vmem>>
      %dma_start3A_50 = arith.constant 0 : i32
      %dma_start3A_51 = tpu.memref_slice %arg9[%dma_start3A_46, %dma_start3A_50] : memref<8x125xi32, #tpu.memory_space<vmem>> -> memref<1x125xi32, #tpu.memory_space<vmem>>
      %dma_start3A_52 = tpu.memref_squeeze %dma_start3A_51 : memref<1x125xi32, #tpu.memory_space<vmem>> -> memref<125xi32, #tpu.memory_space<vmem>>
      %dma_start3A_53 = arith.constant 0 : i32
      %dma_start3A_54 = arith.constant 0 : i32
      %dma_start3A_55 = tpu.memref_slice %arg3[%dma_start3A_53, %dma_start3A_54] : memref<10000x32xf32, #tpu.memory_space<hbm>> -> memref<10000x32xf32, #tpu.memory_space<hbm>>
      tpu.enqueue_indirect_dma source(%dma_start3A_55 : memref<10000x32xf32, #tpu.memory_space<hbm>>) target(%dma_start3A_49 : memref<125x32xf32, #tpu.memory_space<vmem>>) offsets(%dma_start3A_52 : memref<125xi32, #tpu.memory_space<vmem>>) semaphore(%arg12 : memref<!tpu.dma_semaphore, #tpu.memory_space<semaphore_mem>>)
      %dma_start3A_56 = arith.constant 2 : i32
      %dma_start3A_57 = arith.constant 250 : i32
      %dma_start3A_58 = arith.constant 0 : i32
      %dma_start3A_59 = tpu.memref_slice %arg10[%dma_start3A_57, %dma_start3A_58] : memref<1000x32xf32, #tpu.memory_space<vmem>> -> memref<125x32xf32, #tpu.memory_space<vmem>>
      %dma_start3A_60 = arith.constant 0 : i32
      %dma_start3A_61 = tpu.memref_slice %arg8[%dma_start3A_56, %dma_start3A_60] : memref<8x125xi32, #tpu.memory_space<vmem>> -> memref<1x125xi32, #tpu.memory_space<vmem>>
      %dma_start3A_62 = tpu.memref_squeeze %dma_start3A_61 : memref<1x125xi32, #tpu.memory_space<vmem>> -> memref<125xi32, #tpu.memory_space<vmem>>
      %dma_start3A_63 = arith.constant 0 : i32
      %dma_start3A_64 = arith.constant 0 : i32
      %dma_start3A_65 = tpu.memref_slice %arg2[%dma_start3A_63, %dma_start3A_64] : memref<10000x32xf32, #tpu.memory_space<hbm>> -> memref<10000x32xf32, #tpu.memory_space<hbm>>
      tpu.enqueue_indirect_dma source(%dma_start3A_65 : memref<10000x32xf32, #tpu.memory_space<hbm>>) target(%dma_start3A_59 : memref<125x32xf32, #tpu.memory_space<vmem>>) offsets(%dma_start3A_62 : memref<125xi32, #tpu.memory_space<vmem>>) semaphore(%arg12 : memref<!tpu.dma_semaphore, #tpu.memory_space<semaphore_mem>>)
      %dma_start3A_66 = arith.constant 2 : i32
      %dma_start3A_67 = arith.constant 250 : i32
      %dma_start3A_68 = arith.constant 0 : i32
      %dma_start3A_69 = tpu.memref_slice %arg11[%dma_start3A_67, %dma_start3A_68] : memref<1000x32xf32, #tpu.memory_space<vmem>> -> memref<125x32xf32, #tpu.memory_space<vmem>>
      %dma_start3A_70 = arith.constant 0 : i32
      %dma_start3A_71 = tpu.memref_slice %arg9[%dma_start3A_66, %dma_start3A_70] : memref<8x125xi32, #tpu.memory_space<vmem>> -> memref<1x125xi32, #tpu.memory_space<vmem>>
      %dma_start3A_72 = tpu.memref_squeeze %dma_start3A_71 : memref<1x125xi32, #tpu.memory_space<vmem>> -> memref<125xi32, #tpu.memory_space<vmem>>
      %dma_start3A_73 = arith.constant 0 : i32
      %dma_start3A_74 = arith.constant 0 : i32
      %dma_start3A_75 = tpu.memref_slice %arg3[%dma_start3A_73, %dma_start3A_74] : memref<10000x32xf32, #tpu.memory_space<hbm>> -> memref<10000x32xf32, #tpu.memory_space<hbm>>
      tpu.enqueue_indirect_dma source(%dma_start3A_75 : memref<10000x32xf32, #tpu.memory_space<hbm>>) target(%dma_start3A_69 : memref<125x32xf32, #tpu.memory_space<vmem>>) offsets(%dma_start3A_72 : memref<125xi32, #tpu.memory_space<vmem>>) semaphore(%arg12 : memref<!tpu.dma_semaphore, #tpu.memory_space<semaphore_mem>>)
      %dma_start3A_76 = arith.constant 3 : i32
      %dma_start3A_77 = arith.constant 375 : i32
      %dma_start3A_78 = arith.constant 0 : i32
      %dma_start3A_79 = tpu.memref_slice %arg10[%dma_start3A_77, %dma_start3A_78] : memref<1000x32xf32, #tpu.memory_space<vmem>> -> memref<125x32xf32, #tpu.memory_space<vmem>>
      %dma_start3A_80 = arith.constant 0 : i32
      %dma_start3A_81 = tpu.memref_slice %arg8[%dma_start3A_76, %dma_start3A_80] : memref<8x125xi32, #tpu.memory_space<vmem>> -> memref<1x125xi32, #tpu.memory_space<vmem>>
      %dma_start3A_82 = tpu.memref_squeeze %dma_start3A_81 : memref<1x125xi32, #tpu.memory_space<vmem>> -> memref<125xi32, #tpu.memory_space<vmem>>
      %dma_start3A_83 = arith.constant 0 : i32
      %dma_start3A_84 = arith.constant 0 : i32
      %dma_start3A_85 = tpu.memref_slice %arg2[%dma_start3A_83, %dma_start3A_84] : memref<10000x32xf32, #tpu.memory_space<hbm>> -> memref<10000x32xf32, #tpu.memory_space<hbm>>
      tpu.enqueue_indirect_dma source(%dma_start3A_85 : memref<10000x32xf32, #tpu.memory_space<hbm>>) target(%dma_start3A_79 : memref<125x32xf32, #tpu.memory_space<vmem>>) offsets(%dma_start3A_82 : memref<125xi32, #tpu.memory_space<vmem>>) semaphore(%arg12 : memref<!tpu.dma_semaphore, #tpu.memory_space<semaphore_mem>>)
      %dma_start3A_86 = arith.constant 3 : i32
      %dma_start3A_87 = arith.constant 375 : i32
      %dma_start3A_88 = arith.constant 0 : i32
      %dma_start3A_89 = tpu.memref_slice %arg11[%dma_start3A_87, %dma_start3A_88] : memref<1000x32xf32, #tpu.memory_space<vmem>> -> memref<125x32xf32, #tpu.memory_space<vmem>>
      %dma_start3A_90 = arith.constant 0 : i32
      %dma_start3A_91 = tpu.memref_slice %arg9[%dma_start3A_86, %dma_start3A_90] : memref<8x125xi32, #tpu.memory_space<vmem>> -> memref<1x125xi32, #tpu.memory_space<vmem>>
      %dma_start3A_92 = tpu.memref_squeeze %dma_start3A_91 : memref<1x125xi32, #tpu.memory_space<vmem>> -> memref<125xi32, #tpu.memory_space<vmem>>
      %dma_start3A_93 = arith.constant 0 : i32
      %dma_start3A_94 = arith.constant 0 : i32
      %dma_start3A_95 = tpu.memref_slice %arg3[%dma_start3A_93, %dma_start3A_94] : memref<10000x32xf32, #tpu.memory_space<hbm>> -> memref<10000x32xf32, #tpu.memory_space<hbm>>
      tpu.enqueue_indirect_dma source(%dma_start3A_95 : memref<10000x32xf32, #tpu.memory_space<hbm>>) target(%dma_start3A_89 : memref<125x32xf32, #tpu.memory_space<vmem>>) offsets(%dma_start3A_92 : memref<125xi32, #tpu.memory_space<vmem>>) semaphore(%arg12 : memref<!tpu.dma_semaphore, #tpu.memory_space<semaphore_mem>>)
      %dma_start3A_96 = arith.constant 4 : i32
      %dma_start3A_97 = arith.constant 500 : i32
      %dma_start3A_98 = arith.constant 0 : i32
      %dma_start3A_99 = tpu.memref_slice %arg10[%dma_start3A_97, %dma_start3A_98] : memref<1000x32xf32, #tpu.memory_space<vmem>> -> memref<125x32xf32, #tpu.memory_space<vmem>>
      %dma_start3A_100 = arith.constant 0 : i32
      %dma_start3A_101 = tpu.memref_slice %arg8[%dma_start3A_96, %dma_start3A_100] : memref<8x125xi32, #tpu.memory_space<vmem>> -> memref<1x125xi32, #tpu.memory_space<vmem>>
      %dma_start3A_102 = tpu.memref_squeeze %dma_start3A_101 : memref<1x125xi32, #tpu.memory_space<vmem>> -> memref<125xi32, #tpu.memory_space<vmem>>
      %dma_start3A_103 = arith.constant 0 : i32
      %dma_start3A_104 = arith.constant 0 : i32
      %dma_start3A_105 = tpu.memref_slice %arg2[%dma_start3A_103, %dma_start3A_104] : memref<10000x32xf32, #tpu.memory_space<hbm>> -> memref<10000x32xf32, #tpu.memory_space<hbm>>
      tpu.enqueue_indirect_dma source(%dma_start3A_105 : memref<10000x32xf32, #tpu.memory_space<hbm>>) target(%dma_start3A_99 : memref<125x32xf32, #tpu.memory_space<vmem>>) offsets(%dma_start3A_102 : memref<125xi32, #tpu.memory_space<vmem>>) semaphore(%arg12 : memref<!tpu.dma_semaphore, #tpu.memory_space<semaphore_mem>>)
      %dma_start3A_106 = arith.constant 4 : i32
      %dma_start3A_107 = arith.constant 500 : i32
      %dma_start3A_108 = arith.constant 0 : i32
      %dma_start3A_109 = tpu.memref_slice %arg11[%dma_start3A_107, %dma_start3A_108] : memref<1000x32xf32, #tpu.memory_space<vmem>> -> memref<125x32xf32, #tpu.memory_space<vmem>>
      %dma_start3A_110 = arith.constant 0 : i32
      %dma_start3A_111 = tpu.memref_slice %arg9[%dma_start3A_106, %dma_start3A_110] : memref<8x125xi32, #tpu.memory_space<vmem>> -> memref<1x125xi32, #tpu.memory_space<vmem>>
      %dma_start3A_112 = tpu.memref_squeeze %dma_start3A_111 : memref<1x125xi32, #tpu.memory_space<vmem>> -> memref<125xi32, #tpu.memory_space<vmem>>
      %dma_start3A_113 = arith.constant 0 : i32
      %dma_start3A_114 = arith.constant 0 : i32
      %dma_start3A_115 = tpu.memref_slice %arg3[%dma_start3A_113, %dma_start3A_114] : memref<10000x32xf32, #tpu.memory_space<hbm>> -> memref<10000x32xf32, #tpu.memory_space<hbm>>
      tpu.enqueue_indirect_dma source(%dma_start3A_115 : memref<10000x32xf32, #tpu.memory_space<hbm>>) target(%dma_start3A_109 : memref<125x32xf32, #tpu.memory_space<vmem>>) offsets(%dma_start3A_112 : memref<125xi32, #tpu.memory_space<vmem>>) semaphore(%arg12 : memref<!tpu.dma_semaphore, #tpu.memory_space<semaphore_mem>>)
      %dma_start3A_116 = arith.constant 5 : i32
      %dma_start3A_117 = arith.constant 625 : i32
      %dma_start3A_118 = arith.constant 0 : i32
      %dma_start3A_119 = tpu.memref_slice %arg10[%dma_start3A_117, %dma_start3A_118] : memref<1000x32xf32, #tpu.memory_space<vmem>> -> memref<125x32xf32, #tpu.memory_space<vmem>>
      %dma_start3A_120 = arith.constant 0 : i32
      %dma_start3A_121 = tpu.memref_slice %arg8[%dma_start3A_116, %dma_start3A_120] : memref<8x125xi32, #tpu.memory_space<vmem>> -> memref<1x125xi32, #tpu.memory_space<vmem>>
      %dma_start3A_122 = tpu.memref_squeeze %dma_start3A_121 : memref<1x125xi32, #tpu.memory_space<vmem>> -> memref<125xi32, #tpu.memory_space<vmem>>
      %dma_start3A_123 = arith.constant 0 : i32
      %dma_start3A_124 = arith.constant 0 : i32
      %dma_start3A_125 = tpu.memref_slice %arg2[%dma_start3A_123, %dma_start3A_124] : memref<10000x32xf32, #tpu.memory_space<hbm>> -> memref<10000x32xf32, #tpu.memory_space<hbm>>
      tpu.enqueue_indirect_dma source(%dma_start3A_125 : memref<10000x32xf32, #tpu.memory_space<hbm>>) target(%dma_start3A_119 : memref<125x32xf32, #tpu.memory_space<vmem>>) offsets(%dma_start3A_122 : memref<125xi32, #tpu.memory_space<vmem>>) semaphore(%arg12 : memref<!tpu.dma_semaphore, #tpu.memory_space<semaphore_mem>>)
      %dma_start3A_126 = arith.constant 5 : i32
      %dma_start3A_127 = arith.constant 625 : i32
      %dma_start3A_128 = arith.constant 0 : i32
      %dma_start3A_129 = tpu.memref_slice %arg11[%dma_start3A_127, %dma_start3A_128] : memref<1000x32xf32, #tpu.memory_space<vmem>> -> memref<125x32xf32, #tpu.memory_space<vmem>>
      %dma_start3A_130 = arith.constant 0 : i32
      %dma_start3A_131 = tpu.memref_slice %arg9[%dma_start3A_126, %dma_start3A_130] : memref<8x125xi32, #tpu.memory_space<vmem>> -> memref<1x125xi32, #tpu.memory_space<vmem>>
      %dma_start3A_132 = tpu.memref_squeeze %dma_start3A_131 : memref<1x125xi32, #tpu.memory_space<vmem>> -> memref<125xi32, #tpu.memory_space<vmem>>
      %dma_start3A_133 = arith.constant 0 : i32
      %dma_start3A_134 = arith.constant 0 : i32
      %dma_start3A_135 = tpu.memref_slice %arg3[%dma_start3A_133, %dma_start3A_134] : memref<10000x32xf32, #tpu.memory_space<hbm>> -> memref<10000x32xf32, #tpu.memory_space<hbm>>
      tpu.enqueue_indirect_dma source(%dma_start3A_135 : memref<10000x32xf32, #tpu.memory_space<hbm>>) target(%dma_start3A_129 : memref<125x32xf32, #tpu.memory_space<vmem>>) offsets(%dma_start3A_132 : memref<125xi32, #tpu.memory_space<vmem>>) semaphore(%arg12 : memref<!tpu.dma_semaphore, #tpu.memory_space<semaphore_mem>>)
      %dma_start3A_136 = arith.constant 6 : i32
      %dma_start3A_137 = arith.constant 750 : i32
      %dma_start3A_138 = arith.constant 0 : i32
      %dma_start3A_139 = tpu.memref_slice %arg10[%dma_start3A_137, %dma_start3A_138] : memref<1000x32xf32, #tpu.memory_space<vmem>> -> memref<125x32xf32, #tpu.memory_space<vmem>>
      %dma_start3A_140 = arith.constant 0 : i32
      %dma_start3A_141 = tpu.memref_slice %arg8[%dma_start3A_136, %dma_start3A_140] : memref<8x125xi32, #tpu.memory_space<vmem>> -> memref<1x125xi32, #tpu.memory_space<vmem>>
      %dma_start3A_142 = tpu.memref_squeeze %dma_start3A_141 : memref<1x125xi32, #tpu.memory_space<vmem>> -> memref<125xi32, #tpu.memory_space<vmem>>
      %dma_start3A_143 = arith.constant 0 : i32
      %dma_start3A_144 = arith.constant 0 : i32
      %dma_start3A_145 = tpu.memref_slice %arg2[%dma_start3A_143, %dma_start3A_144] : memref<10000x32xf32, #tpu.memory_space<hbm>> -> memref<10000x32xf32, #tpu.memory_space<hbm>>
      tpu.enqueue_indirect_dma source(%dma_start3A_145 : memref<10000x32xf32, #tpu.memory_space<hbm>>) target(%dma_start3A_139 : memref<125x32xf32, #tpu.memory_space<vmem>>) offsets(%dma_start3A_142 : memref<125xi32, #tpu.memory_space<vmem>>) semaphore(%arg12 : memref<!tpu.dma_semaphore, #tpu.memory_space<semaphore_mem>>)
      %dma_start3A_146 = arith.constant 6 : i32
      %dma_start3A_147 = arith.constant 750 : i32
      %dma_start3A_148 = arith.constant 0 : i32
      %dma_start3A_149 = tpu.memref_slice %arg11[%dma_start3A_147, %dma_start3A_148] : memref<1000x32xf32, #tpu.memory_space<vmem>> -> memref<125x32xf32, #tpu.memory_space<vmem>>
      %dma_start3A_150 = arith.constant 0 : i32
      %dma_start3A_151 = tpu.memref_slice %arg9[%dma_start3A_146, %dma_start3A_150] : memref<8x125xi32, #tpu.memory_space<vmem>> -> memref<1x125xi32, #tpu.memory_space<vmem>>
      %dma_start3A_152 = tpu.memref_squeeze %dma_start3A_151 : memref<1x125xi32, #tpu.memory_space<vmem>> -> memref<125xi32, #tpu.memory_space<vmem>>
      %dma_start3A_153 = arith.constant 0 : i32
      %dma_start3A_154 = arith.constant 0 : i32
      %dma_start3A_155 = tpu.memref_slice %arg3[%dma_start3A_153, %dma_start3A_154] : memref<10000x32xf32, #tpu.memory_space<hbm>> -> memref<10000x32xf32, #tpu.memory_space<hbm>>
      tpu.enqueue_indirect_dma source(%dma_start3A_155 : memref<10000x32xf32, #tpu.memory_space<hbm>>) target(%dma_start3A_149 : memref<125x32xf32, #tpu.memory_space<vmem>>) offsets(%dma_start3A_152 : memref<125xi32, #tpu.memory_space<vmem>>) semaphore(%arg12 : memref<!tpu.dma_semaphore, #tpu.memory_space<semaphore_mem>>)
      %dma_start3A_156 = arith.constant 7 : i32
      %dma_start3A_157 = arith.constant 875 : i32
      %dma_start3A_158 = arith.constant 0 : i32
      %dma_start3A_159 = tpu.memref_slice %arg10[%dma_start3A_157, %dma_start3A_158] : memref<1000x32xf32, #tpu.memory_space<vmem>> -> memref<125x32xf32, #tpu.memory_space<vmem>>
      %dma_start3A_160 = arith.constant 0 : i32
      %dma_start3A_161 = tpu.memref_slice %arg8[%dma_start3A_156, %dma_start3A_160] : memref<8x125xi32, #tpu.memory_space<vmem>> -> memref<1x125xi32, #tpu.memory_space<vmem>>
      %dma_start3A_162 = tpu.memref_squeeze %dma_start3A_161 : memref<1x125xi32, #tpu.memory_space<vmem>> -> memref<125xi32, #tpu.memory_space<vmem>>
      %dma_start3A_163 = arith.constant 0 : i32
      %dma_start3A_164 = arith.constant 0 : i32
      %dma_start3A_165 = tpu.memref_slice %arg2[%dma_start3A_163, %dma_start3A_164] : memref<10000x32xf32, #tpu.memory_space<hbm>> -> memref<10000x32xf32, #tpu.memory_space<hbm>>
      tpu.enqueue_indirect_dma source(%dma_start3A_165 : memref<10000x32xf32, #tpu.memory_space<hbm>>) target(%dma_start3A_159 : memref<125x32xf32, #tpu.memory_space<vmem>>) offsets(%dma_start3A_162 : memref<125xi32, #tpu.memory_space<vmem>>) semaphore(%arg12 : memref<!tpu.dma_semaphore, #tpu.memory_space<semaphore_mem>>)
      %dma_start3A_166 = arith.constant 7 : i32
      %dma_start3A_167 = arith.constant 875 : i32
      %dma_start3A_168 = arith.constant 0 : i32
      %dma_start3A_169 = tpu.memref_slice %arg11[%dma_start3A_167, %dma_start3A_168] : memref<1000x32xf32, #tpu.memory_space<vmem>> -> memref<125x32xf32, #tpu.memory_space<vmem>>
      %dma_start3A_170 = arith.constant 0 : i32
      %dma_start3A_171 = tpu.memref_slice %arg9[%dma_start3A_166, %dma_start3A_170] : memref<8x125xi32, #tpu.memory_space<vmem>> -> memref<1x125xi32, #tpu.memory_space<vmem>>
      %dma_start3A_172 = tpu.memref_squeeze %dma_start3A_171 : memref<1x125xi32, #tpu.memory_space<vmem>> -> memref<125xi32, #tpu.memory_space<vmem>>
      %dma_start3A_173 = arith.constant 0 : i32
      %dma_start3A_174 = arith.constant 0 : i32
      %dma_start3A_175 = tpu.memref_slice %arg3[%dma_start3A_173, %dma_start3A_174] : memref<10000x32xf32, #tpu.memory_space<hbm>> -> memref<10000x32xf32, #tpu.memory_space<hbm>>
      tpu.enqueue_indirect_dma source(%dma_start3A_175 : memref<10000x32xf32, #tpu.memory_space<hbm>>) target(%dma_start3A_169 : memref<125x32xf32, #tpu.memory_space<vmem>>) offsets(%dma_start3A_172 : memref<125xi32, #tpu.memory_space<vmem>>) semaphore(%arg12 : memref<!tpu.dma_semaphore, #tpu.memory_space<semaphore_mem>>)
      %dma_wait3A = arith.constant 0 : i32
      %dma_wait3A_176 = arith.constant 0 : i32
      %dma_wait3A_177 = arith.constant 0 : i32
      %dma_wait3A_178 = tpu.memref_slice %arg10[%dma_wait3A_176, %dma_wait3A_177] : memref<1000x32xf32, #tpu.memory_space<vmem>> -> memref<125x32xf32, #tpu.memory_space<vmem>>
      %dma_wait3A_179 = arith.constant 0 : i32
      %dma_wait3A_180 = tpu.memref_slice %arg8[%dma_wait3A, %dma_wait3A_179] : memref<8x125xi32, #tpu.memory_space<vmem>> -> memref<1x125xi32, #tpu.memory_space<vmem>>
      %dma_wait3A_181 = tpu.memref_squeeze %dma_wait3A_180 : memref<1x125xi32, #tpu.memory_space<vmem>> -> memref<125xi32, #tpu.memory_space<vmem>>
      %dma_wait3A_182 = arith.constant 0 : i32
      %dma_wait3A_183 = arith.constant 0 : i32
      %dma_wait3A_184 = tpu.memref_slice %arg2[%dma_wait3A_182, %dma_wait3A_183] : memref<10000x32xf32, #tpu.memory_space<hbm>> -> memref<10000x32xf32, #tpu.memory_space<hbm>>
      tpu.wait_indirect_dma semaphore(%arg12 : memref<!tpu.dma_semaphore, #tpu.memory_space<semaphore_mem>>) src(%dma_wait3A_184 : memref<10000x32xf32, #tpu.memory_space<hbm>>) dst(%dma_wait3A_178 : memref<125x32xf32, #tpu.memory_space<vmem>>)
      %dma_wait3A_185 = arith.constant 0 : i32
      %dma_wait3A_186 = arith.constant 0 : i32
      %dma_wait3A_187 = arith.constant 0 : i32
      %dma_wait3A_188 = tpu.memref_slice %arg11[%dma_wait3A_186, %dma_wait3A_187] : memref<1000x32xf32, #tpu.memory_space<vmem>> -> memref<125x32xf32, #tpu.memory_space<vmem>>
      %dma_wait3A_189 = arith.constant 0 : i32
      %dma_wait3A_190 = tpu.memref_slice %arg9[%dma_wait3A_185, %dma_wait3A_189] : memref<8x125xi32, #tpu.memory_space<vmem>> -> memref<1x125xi32, #tpu.memory_space<vmem>>
      %dma_wait3A_191 = tpu.memref_squeeze %dma_wait3A_190 : memref<1x125xi32, #tpu.memory_space<vmem>> -> memref<125xi32, #tpu.memory_space<vmem>>
      %dma_wait3A_192 = arith.constant 0 : i32
      %dma_wait3A_193 = arith.constant 0 : i32
      %dma_wait3A_194 = tpu.memref_slice %arg3[%dma_wait3A_192, %dma_wait3A_193] : memref<10000x32xf32, #tpu.memory_space<hbm>> -> memref<10000x32xf32, #tpu.memory_space<hbm>>
      tpu.wait_indirect_dma semaphore(%arg12 : memref<!tpu.dma_semaphore, #tpu.memory_space<semaphore_mem>>) src(%dma_wait3A_194 : memref<10000x32xf32, #tpu.memory_space<hbm>>) dst(%dma_wait3A_188 : memref<125x32xf32, #tpu.memory_space<vmem>>)
      %dma_wait3A_195 = arith.constant 1 : i32
      %dma_wait3A_196 = arith.constant 125 : i32
      %dma_wait3A_197 = arith.constant 0 : i32
      %dma_wait3A_198 = tpu.memref_slice %arg10[%dma_wait3A_196, %dma_wait3A_197] : memref<1000x32xf32, #tpu.memory_space<vmem>> -> memref<125x32xf32, #tpu.memory_space<vmem>>
      %dma_wait3A_199 = arith.constant 0 : i32
      %dma_wait3A_200 = tpu.memref_slice %arg8[%dma_wait3A_195, %dma_wait3A_199] : memref<8x125xi32, #tpu.memory_space<vmem>> -> memref<1x125xi32, #tpu.memory_space<vmem>>
      %dma_wait3A_201 = tpu.memref_squeeze %dma_wait3A_200 : memref<1x125xi32, #tpu.memory_space<vmem>> -> memref<125xi32, #tpu.memory_space<vmem>>
      %dma_wait3A_202 = arith.constant 0 : i32
      %dma_wait3A_203 = arith.constant 0 : i32
      %dma_wait3A_204 = tpu.memref_slice %arg2[%dma_wait3A_202, %dma_wait3A_203] : memref<10000x32xf32, #tpu.memory_space<hbm>> -> memref<10000x32xf32, #tpu.memory_space<hbm>>
      tpu.wait_indirect_dma semaphore(%arg12 : memref<!tpu.dma_semaphore, #tpu.memory_space<semaphore_mem>>) src(%dma_wait3A_204 : memref<10000x32xf32, #tpu.memory_space<hbm>>) dst(%dma_wait3A_198 : memref<125x32xf32, #tpu.memory_space<vmem>>)
      %dma_wait3A_205 = arith.constant 1 : i32
      %dma_wait3A_206 = arith.constant 125 : i32
      %dma_wait3A_207 = arith.constant 0 : i32
      %dma_wait3A_208 = tpu.memref_slice %arg11[%dma_wait3A_206, %dma_wait3A_207] : memref<1000x32xf32, #tpu.memory_space<vmem>> -> memref<125x32xf32, #tpu.memory_space<vmem>>
      %dma_wait3A_209 = arith.constant 0 : i32
      %dma_wait3A_210 = tpu.memref_slice %arg9[%dma_wait3A_205, %dma_wait3A_209] : memref<8x125xi32, #tpu.memory_space<vmem>> -> memref<1x125xi32, #tpu.memory_space<vmem>>
      %dma_wait3A_211 = tpu.memref_squeeze %dma_wait3A_210 : memref<1x125xi32, #tpu.memory_space<vmem>> -> memref<125xi32, #tpu.memory_space<vmem>>
      %dma_wait3A_212 = arith.constant 0 : i32
      %dma_wait3A_213 = arith.constant 0 : i32
      %dma_wait3A_214 = tpu.memref_slice %arg3[%dma_wait3A_212, %dma_wait3A_213] : memref<10000x32xf32, #tpu.memory_space<hbm>> -> memref<10000x32xf32, #tpu.memory_space<hbm>>
      tpu.wait_indirect_dma semaphore(%arg12 : memref<!tpu.dma_semaphore, #tpu.memory_space<semaphore_mem>>) src(%dma_wait3A_214 : memref<10000x32xf32, #tpu.memory_space<hbm>>) dst(%dma_wait3A_208 : memref<125x32xf32, #tpu.memory_space<vmem>>)
      %dma_wait3A_215 = arith.constant 2 : i32
      %dma_wait3A_216 = arith.constant 250 : i32
      %dma_wait3A_217 = arith.constant 0 : i32
      %dma_wait3A_218 = tpu.memref_slice %arg10[%dma_wait3A_216, %dma_wait3A_217] : memref<1000x32xf32, #tpu.memory_space<vmem>> -> memref<125x32xf32, #tpu.memory_space<vmem>>
      %dma_wait3A_219 = arith.constant 0 : i32
      %dma_wait3A_220 = tpu.memref_slice %arg8[%dma_wait3A_215, %dma_wait3A_219] : memref<8x125xi32, #tpu.memory_space<vmem>> -> memref<1x125xi32, #tpu.memory_space<vmem>>
      %dma_wait3A_221 = tpu.memref_squeeze %dma_wait3A_220 : memref<1x125xi32, #tpu.memory_space<vmem>> -> memref<125xi32, #tpu.memory_space<vmem>>
      %dma_wait3A_222 = arith.constant 0 : i32
      %dma_wait3A_223 = arith.constant 0 : i32
      %dma_wait3A_224 = tpu.memref_slice %arg2[%dma_wait3A_222, %dma_wait3A_223] : memref<10000x32xf32, #tpu.memory_space<hbm>> -> memref<10000x32xf32, #tpu.memory_space<hbm>>
      tpu.wait_indirect_dma semaphore(%arg12 : memref<!tpu.dma_semaphore, #tpu.memory_space<semaphore_mem>>) src(%dma_wait3A_224 : memref<10000x32xf32, #tpu.memory_space<hbm>>) dst(%dma_wait3A_218 : memref<125x32xf32, #tpu.memory_space<vmem>>)
      %dma_wait3A_225 = arith.constant 2 : i32
      %dma_wait3A_226 = arith.constant 250 : i32
      %dma_wait3A_227 = arith.constant 0 : i32
      %dma_wait3A_228 = tpu.memref_slice %arg11[%dma_wait3A_226, %dma_wait3A_227] : memref<1000x32xf32, #tpu.memory_space<vmem>> -> memref<125x32xf32, #tpu.memory_space<vmem>>
      %dma_wait3A_229 = arith.constant 0 : i32
      %dma_wait3A_230 = tpu.memref_slice %arg9[%dma_wait3A_225, %dma_wait3A_229] : memref<8x125xi32, #tpu.memory_space<vmem>> -> memref<1x125xi32, #tpu.memory_space<vmem>>
      %dma_wait3A_231 = tpu.memref_squeeze %dma_wait3A_230 : memref<1x125xi32, #tpu.memory_space<vmem>> -> memref<125xi32, #tpu.memory_space<vmem>>
      %dma_wait3A_232 = arith.constant 0 : i32
      %dma_wait3A_233 = arith.constant 0 : i32
      %dma_wait3A_234 = tpu.memref_slice %arg3[%dma_wait3A_232, %dma_wait3A_233] : memref<10000x32xf32, #tpu.memory_space<hbm>> -> memref<10000x32xf32, #tpu.memory_space<hbm>>
      tpu.wait_indirect_dma semaphore(%arg12 : memref<!tpu.dma_semaphore, #tpu.memory_space<semaphore_mem>>) src(%dma_wait3A_234 : memref<10000x32xf32, #tpu.memory_space<hbm>>) dst(%dma_wait3A_228 : memref<125x32xf32, #tpu.memory_space<vmem>>)
      %dma_wait3A_235 = arith.constant 3 : i32
      %dma_wait3A_236 = arith.constant 375 : i32
      %dma_wait3A_237 = arith.constant 0 : i32
      %dma_wait3A_238 = tpu.memref_slice %arg10[%dma_wait3A_236, %dma_wait3A_237] : memref<1000x32xf32, #tpu.memory_space<vmem>> -> memref<125x32xf32, #tpu.memory_space<vmem>>
      %dma_wait3A_239 = arith.constant 0 : i32
      %dma_wait3A_240 = tpu.memref_slice %arg8[%dma_wait3A_235, %dma_wait3A_239] : memref<8x125xi32, #tpu.memory_space<vmem>> -> memref<1x125xi32, #tpu.memory_space<vmem>>
      %dma_wait3A_241 = tpu.memref_squeeze %dma_wait3A_240 : memref<1x125xi32, #tpu.memory_space<vmem>> -> memref<125xi32, #tpu.memory_space<vmem>>
      %dma_wait3A_242 = arith.constant 0 : i32
      %dma_wait3A_243 = arith.constant 0 : i32
      %dma_wait3A_244 = tpu.memref_slice %arg2[%dma_wait3A_242, %dma_wait3A_243] : memref<10000x32xf32, #tpu.memory_space<hbm>> -> memref<10000x32xf32, #tpu.memory_space<hbm>>
      tpu.wait_indirect_dma semaphore(%arg12 : memref<!tpu.dma_semaphore, #tpu.memory_space<semaphore_mem>>) src(%dma_wait3A_244 : memref<10000x32xf32, #tpu.memory_space<hbm>>) dst(%dma_wait3A_238 : memref<125x32xf32, #tpu.memory_space<vmem>>)
      %dma_wait3A_245 = arith.constant 3 : i32
      %dma_wait3A_246 = arith.constant 375 : i32
      %dma_wait3A_247 = arith.constant 0 : i32
      %dma_wait3A_248 = tpu.memref_slice %arg11[%dma_wait3A_246, %dma_wait3A_247] : memref<1000x32xf32, #tpu.memory_space<vmem>> -> memref<125x32xf32, #tpu.memory_space<vmem>>
      %dma_wait3A_249 = arith.constant 0 : i32
      %dma_wait3A_250 = tpu.memref_slice %arg9[%dma_wait3A_245, %dma_wait3A_249] : memref<8x125xi32, #tpu.memory_space<vmem>> -> memref<1x125xi32, #tpu.memory_space<vmem>>
      %dma_wait3A_251 = tpu.memref_squeeze %dma_wait3A_250 : memref<1x125xi32, #tpu.memory_space<vmem>> -> memref<125xi32, #tpu.memory_space<vmem>>
      %dma_wait3A_252 = arith.constant 0 : i32
      %dma_wait3A_253 = arith.constant 0 : i32
      %dma_wait3A_254 = tpu.memref_slice %arg3[%dma_wait3A_252, %dma_wait3A_253] : memref<10000x32xf32, #tpu.memory_space<hbm>> -> memref<10000x32xf32, #tpu.memory_space<hbm>>
      tpu.wait_indirect_dma semaphore(%arg12 : memref<!tpu.dma_semaphore, #tpu.memory_space<semaphore_mem>>) src(%dma_wait3A_254 : memref<10000x32xf32, #tpu.memory_space<hbm>>) dst(%dma_wait3A_248 : memref<125x32xf32, #tpu.memory_space<vmem>>)
      %dma_wait3A_255 = arith.constant 4 : i32
      %dma_wait3A_256 = arith.constant 500 : i32
      %dma_wait3A_257 = arith.constant 0 : i32
      %dma_wait3A_258 = tpu.memref_slice %arg10[%dma_wait3A_256, %dma_wait3A_257] : memref<1000x32xf32, #tpu.memory_space<vmem>> -> memref<125x32xf32, #tpu.memory_space<vmem>>
      %dma_wait3A_259 = arith.constant 0 : i32
      %dma_wait3A_260 = tpu.memref_slice %arg8[%dma_wait3A_255, %dma_wait3A_259] : memref<8x125xi32, #tpu.memory_space<vmem>> -> memref<1x125xi32, #tpu.memory_space<vmem>>
      %dma_wait3A_261 = tpu.memref_squeeze %dma_wait3A_260 : memref<1x125xi32, #tpu.memory_space<vmem>> -> memref<125xi32, #tpu.memory_space<vmem>>
      %dma_wait3A_262 = arith.constant 0 : i32
      %dma_wait3A_263 = arith.constant 0 : i32
      %dma_wait3A_264 = tpu.memref_slice %arg2[%dma_wait3A_262, %dma_wait3A_263] : memref<10000x32xf32, #tpu.memory_space<hbm>> -> memref<10000x32xf32, #tpu.memory_space<hbm>>
      tpu.wait_indirect_dma semaphore(%arg12 : memref<!tpu.dma_semaphore, #tpu.memory_space<semaphore_mem>>) src(%dma_wait3A_264 : memref<10000x32xf32, #tpu.memory_space<hbm>>) dst(%dma_wait3A_258 : memref<125x32xf32, #tpu.memory_space<vmem>>)
      %dma_wait3A_265 = arith.constant 4 : i32
      %dma_wait3A_266 = arith.constant 500 : i32
      %dma_wait3A_267 = arith.constant 0 : i32
      %dma_wait3A_268 = tpu.memref_slice %arg11[%dma_wait3A_266, %dma_wait3A_267] : memref<1000x32xf32, #tpu.memory_space<vmem>> -> memref<125x32xf32, #tpu.memory_space<vmem>>
      %dma_wait3A_269 = arith.constant 0 : i32
      %dma_wait3A_270 = tpu.memref_slice %arg9[%dma_wait3A_265, %dma_wait3A_269] : memref<8x125xi32, #tpu.memory_space<vmem>> -> memref<1x125xi32, #tpu.memory_space<vmem>>
      %dma_wait3A_271 = tpu.memref_squeeze %dma_wait3A_270 : memref<1x125xi32, #tpu.memory_space<vmem>> -> memref<125xi32, #tpu.memory_space<vmem>>
      %dma_wait3A_272 = arith.constant 0 : i32
      %dma_wait3A_273 = arith.constant 0 : i32
      %dma_wait3A_274 = tpu.memref_slice %arg3[%dma_wait3A_272, %dma_wait3A_273] : memref<10000x32xf32, #tpu.memory_space<hbm>> -> memref<10000x32xf32, #tpu.memory_space<hbm>>
      tpu.wait_indirect_dma semaphore(%arg12 : memref<!tpu.dma_semaphore, #tpu.memory_space<semaphore_mem>>) src(%dma_wait3A_274 : memref<10000x32xf32, #tpu.memory_space<hbm>>) dst(%dma_wait3A_268 : memref<125x32xf32, #tpu.memory_space<vmem>>)
      %dma_wait3A_275 = arith.constant 5 : i32
      %dma_wait3A_276 = arith.constant 625 : i32
      %dma_wait3A_277 = arith.constant 0 : i32
      %dma_wait3A_278 = tpu.memref_slice %arg10[%dma_wait3A_276, %dma_wait3A_277] : memref<1000x32xf32, #tpu.memory_space<vmem>> -> memref<125x32xf32, #tpu.memory_space<vmem>>
      %dma_wait3A_279 = arith.constant 0 : i32
      %dma_wait3A_280 = tpu.memref_slice %arg8[%dma_wait3A_275, %dma_wait3A_279] : memref<8x125xi32, #tpu.memory_space<vmem>> -> memref<1x125xi32, #tpu.memory_space<vmem>>
      %dma_wait3A_281 = tpu.memref_squeeze %dma_wait3A_280 : memref<1x125xi32, #tpu.memory_space<vmem>> -> memref<125xi32, #tpu.memory_space<vmem>>
      %dma_wait3A_282 = arith.constant 0 : i32
      %dma_wait3A_283 = arith.constant 0 : i32
      %dma_wait3A_284 = tpu.memref_slice %arg2[%dma_wait3A_282, %dma_wait3A_283] : memref<10000x32xf32, #tpu.memory_space<hbm>> -> memref<10000x32xf32, #tpu.memory_space<hbm>>
      tpu.wait_indirect_dma semaphore(%arg12 : memref<!tpu.dma_semaphore, #tpu.memory_space<semaphore_mem>>) src(%dma_wait3A_284 : memref<10000x32xf32, #tpu.memory_space<hbm>>) dst(%dma_wait3A_278 : memref<125x32xf32, #tpu.memory_space<vmem>>)
      %dma_wait3A_285 = arith.constant 5 : i32
      %dma_wait3A_286 = arith.constant 625 : i32
      %dma_wait3A_287 = arith.constant 0 : i32
      %dma_wait3A_288 = tpu.memref_slice %arg11[%dma_wait3A_286, %dma_wait3A_287] : memref<1000x32xf32, #tpu.memory_space<vmem>> -> memref<125x32xf32, #tpu.memory_space<vmem>>
      %dma_wait3A_289 = arith.constant 0 : i32
      %dma_wait3A_290 = tpu.memref_slice %arg9[%dma_wait3A_285, %dma_wait3A_289] : memref<8x125xi32, #tpu.memory_space<vmem>> -> memref<1x125xi32, #tpu.memory_space<vmem>>
      %dma_wait3A_291 = tpu.memref_squeeze %dma_wait3A_290 : memref<1x125xi32, #tpu.memory_space<vmem>> -> memref<125xi32, #tpu.memory_space<vmem>>
      %dma_wait3A_292 = arith.constant 0 : i32
      %dma_wait3A_293 = arith.constant 0 : i32
      %dma_wait3A_294 = tpu.memref_slice %arg3[%dma_wait3A_292, %dma_wait3A_293] : memref<10000x32xf32, #tpu.memory_space<hbm>> -> memref<10000x32xf32, #tpu.memory_space<hbm>>
      tpu.wait_indirect_dma semaphore(%arg12 : memref<!tpu.dma_semaphore, #tpu.memory_space<semaphore_mem>>) src(%dma_wait3A_294 : memref<10000x32xf32, #tpu.memory_space<hbm>>) dst(%dma_wait3A_288 : memref<125x32xf32, #tpu.memory_space<vmem>>)
      %dma_wait3A_295 = arith.constant 6 : i32
      %dma_wait3A_296 = arith.constant 750 : i32
      %dma_wait3A_297 = arith.constant 0 : i32
      %dma_wait3A_298 = tpu.memref_slice %arg10[%dma_wait3A_296, %dma_wait3A_297] : memref<1000x32xf32, #tpu.memory_space<vmem>> -> memref<125x32xf32, #tpu.memory_space<vmem>>
      %dma_wait3A_299 = arith.constant 0 : i32
      %dma_wait3A_300 = tpu.memref_slice %arg8[%dma_wait3A_295, %dma_wait3A_299] : memref<8x125xi32, #tpu.memory_space<vmem>> -> memref<1x125xi32, #tpu.memory_space<vmem>>
      %dma_wait3A_301 = tpu.memref_squeeze %dma_wait3A_300 : memref<1x125xi32, #tpu.memory_space<vmem>> -> memref<125xi32, #tpu.memory_space<vmem>>
      %dma_wait3A_302 = arith.constant 0 : i32
      %dma_wait3A_303 = arith.constant 0 : i32
      %dma_wait3A_304 = tpu.memref_slice %arg2[%dma_wait3A_302, %dma_wait3A_303] : memref<10000x32xf32, #tpu.memory_space<hbm>> -> memref<10000x32xf32, #tpu.memory_space<hbm>>
      tpu.wait_indirect_dma semaphore(%arg12 : memref<!tpu.dma_semaphore, #tpu.memory_space<semaphore_mem>>) src(%dma_wait3A_304 : memref<10000x32xf32, #tpu.memory_space<hbm>>) dst(%dma_wait3A_298 : memref<125x32xf32, #tpu.memory_space<vmem>>)
      %dma_wait3A_305 = arith.constant 6 : i32
      %dma_wait3A_306 = arith.constant 750 : i32
      %dma_wait3A_307 = arith.constant 0 : i32
      %dma_wait3A_308 = tpu.memref_slice %arg11[%dma_wait3A_306, %dma_wait3A_307] : memref<1000x32xf32, #tpu.memory_space<vmem>> -> memref<125x32xf32, #tpu.memory_space<vmem>>
      %dma_wait3A_309 = arith.constant 0 : i32
      %dma_wait3A_310 = tpu.memref_slice %arg9[%dma_wait3A_305, %dma_wait3A_309] : memref<8x125xi32, #tpu.memory_space<vmem>> -> memref<1x125xi32, #tpu.memory_space<vmem>>
      %dma_wait3A_311 = tpu.memref_squeeze %dma_wait3A_310 : memref<1x125xi32, #tpu.memory_space<vmem>> -> memref<125xi32, #tpu.memory_space<vmem>>
      %dma_wait3A_312 = arith.constant 0 : i32
      %dma_wait3A_313 = arith.constant 0 : i32
      %dma_wait3A_314 = tpu.memref_slice %arg3[%dma_wait3A_312, %dma_wait3A_313] : memref<10000x32xf32, #tpu.memory_space<hbm>> -> memref<10000x32xf32, #tpu.memory_space<hbm>>
      tpu.wait_indirect_dma semaphore(%arg12 : memref<!tpu.dma_semaphore, #tpu.memory_space<semaphore_mem>>) src(%dma_wait3A_314 : memref<10000x32xf32, #tpu.memory_space<hbm>>) dst(%dma_wait3A_308 : memref<125x32xf32, #tpu.memory_space<vmem>>)
      %dma_wait3A_315 = arith.constant 7 : i32
      %dma_wait3A_316 = arith.constant 875 : i32
      %dma_wait3A_317 = arith.constant 0 : i32
      %dma_wait3A_318 = tpu.memref_slice %arg10[%dma_wait3A_316, %dma_wait3A_317] : memref<1000x32xf32, #tpu.memory_space<vmem>> -> memref<125x32xf32, #tpu.memory_space<vmem>>
      %dma_wait3A_319 = arith.constant 0 : i32
      %dma_wait3A_320 = tpu.memref_slice %arg8[%dma_wait3A_315, %dma_wait3A_319] : memref<8x125xi32, #tpu.memory_space<vmem>> -> memref<1x125xi32, #tpu.memory_space<vmem>>
      %dma_wait3A_321 = tpu.memref_squeeze %dma_wait3A_320 : memref<1x125xi32, #tpu.memory_space<vmem>> -> memref<125xi32, #tpu.memory_space<vmem>>
      %dma_wait3A_322 = arith.constant 0 : i32
      %dma_wait3A_323 = arith.constant 0 : i32
      %dma_wait3A_324 = tpu.memref_slice %arg2[%dma_wait3A_322, %dma_wait3A_323] : memref<10000x32xf32, #tpu.memory_space<hbm>> -> memref<10000x32xf32, #tpu.memory_space<hbm>>
      tpu.wait_indirect_dma semaphore(%arg12 : memref<!tpu.dma_semaphore, #tpu.memory_space<semaphore_mem>>) src(%dma_wait3A_324 : memref<10000x32xf32, #tpu.memory_space<hbm>>) dst(%dma_wait3A_318 : memref<125x32xf32, #tpu.memory_space<vmem>>)
      %dma_wait3A_325 = arith.constant 7 : i32
      %dma_wait3A_326 = arith.constant 875 : i32
      %dma_wait3A_327 = arith.constant 0 : i32
      %dma_wait3A_328 = tpu.memref_slice %arg11[%dma_wait3A_326, %dma_wait3A_327] : memref<1000x32xf32, #tpu.memory_space<vmem>> -> memref<125x32xf32, #tpu.memory_space<vmem>>
      %dma_wait3A_329 = arith.constant 0 : i32
      %dma_wait3A_330 = tpu.memref_slice %arg9[%dma_wait3A_325, %dma_wait3A_329] : memref<8x125xi32, #tpu.memory_space<vmem>> -> memref<1x125xi32, #tpu.memory_space<vmem>>
      %dma_wait3A_331 = tpu.memref_squeeze %dma_wait3A_330 : memref<1x125xi32, #tpu.memory_space<vmem>> -> memref<125xi32, #tpu.memory_space<vmem>>
      %dma_wait3A_332 = arith.constant 0 : i32
      %dma_wait3A_333 = arith.constant 0 : i32
      %dma_wait3A_334 = tpu.memref_slice %arg3[%dma_wait3A_332, %dma_wait3A_333] : memref<10000x32xf32, #tpu.memory_space<hbm>> -> memref<10000x32xf32, #tpu.memory_space<hbm>>
      tpu.wait_indirect_dma semaphore(%arg12 : memref<!tpu.dma_semaphore, #tpu.memory_space<semaphore_mem>>) src(%dma_wait3A_334 : memref<10000x32xf32, #tpu.memory_space<hbm>>) dst(%dma_wait3A_328 : memref<125x32xf32, #tpu.memory_space<vmem>>)
      "tpu.region"() ({
        %run_scoped3A = tpu.sem_alloc : memref<!tpu.dma_semaphore, #tpu.memory_space<semaphore_mem>>
        %dma_start3A_335 = arith.constant 0 : i32
        %dma_start3A_336 = tpu.memref_slice %arg6[%add3A_11, %dma_start3A_335] : memref<320000x32xf32, #tpu.memory_space<hbm>> -> memref<1000x32xf32, #tpu.memory_space<hbm>>
        %dma_start3A_337 = arith.constant 0 : i32
        %dma_start3A_338 = tpu.memref_slice %arg6[%add3A_11, %dma_start3A_337] : memref<320000x32xf32, #tpu.memory_space<hbm>> -> memref<1000x32xf32, #tpu.memory_space<hbm>>
        tpu.enqueue_dma source(%arg10 : memref<1000x32xf32, #tpu.memory_space<vmem>>) target(%dma_start3A_338 : memref<1000x32xf32, #tpu.memory_space<hbm>>) target_semaphore(%run_scoped3A : memref<!tpu.dma_semaphore, #tpu.memory_space<semaphore_mem>>)
        %dma_wait3A_339 = arith.constant 0 : i32
        %dma_wait3A_340 = tpu.memref_slice %arg6[%add3A_11, %dma_wait3A_339] : memref<320000x32xf32, #tpu.memory_space<hbm>> -> memref<1000x32xf32, #tpu.memory_space<hbm>>
        %dma_wait3A_341 = arith.constant 0 : i32
        %dma_wait3A_342 = tpu.memref_slice %arg6[%add3A_11, %dma_wait3A_341] : memref<320000x32xf32, #tpu.memory_space<hbm>> -> memref<1000x32xf32, #tpu.memory_space<hbm>>
        tpu.wait_dma2 semaphore(%run_scoped3A : memref<!tpu.dma_semaphore, #tpu.memory_space<semaphore_mem>>) src(%arg10 : memref<1000x32xf32, #tpu.memory_space<vmem>>) dst(%dma_wait3A_342 : memref<1000x32xf32, #tpu.memory_space<hbm>>)
        tpu.yield
      }) : () -> ()
      "tpu.region"() ({
        %run_scoped3A = tpu.sem_alloc : memref<!tpu.dma_semaphore, #tpu.memory_space<semaphore_mem>>
        %dma_start3A_335 = arith.constant 0 : i32
        %dma_start3A_336 = tpu.memref_slice %arg7[%add3A_11, %dma_start3A_335] : memref<320000x32xf32, #tpu.memory_space<hbm>> -> memref<1000x32xf32, #tpu.memory_space<hbm>>
        %dma_start3A_337 = arith.constant 0 : i32
        %dma_start3A_338 = tpu.memref_slice %arg7[%add3A_11, %dma_start3A_337] : memref<320000x32xf32, #tpu.memory_space<hbm>> -> memref<1000x32xf32, #tpu.memory_space<hbm>>
        tpu.enqueue_dma source(%arg11 : memref<1000x32xf32, #tpu.memory_space<vmem>>) target(%dma_start3A_338 : memref<1000x32xf32, #tpu.memory_space<hbm>>) target_semaphore(%run_scoped3A : memref<!tpu.dma_semaphore, #tpu.memory_space<semaphore_mem>>)
        %dma_wait3A_339 = arith.constant 0 : i32
        %dma_wait3A_340 = tpu.memref_slice %arg7[%add3A_11, %dma_wait3A_339] : memref<320000x32xf32, #tpu.memory_space<hbm>> -> memref<1000x32xf32, #tpu.memory_space<hbm>>
        %dma_wait3A_341 = arith.constant 0 : i32
        %dma_wait3A_342 = tpu.memref_slice %arg7[%add3A_11, %dma_wait3A_341] : memref<320000x32xf32, #tpu.memory_space<hbm>> -> memref<1000x32xf32, #tpu.memory_space<hbm>>
        tpu.wait_dma2 semaphore(%run_scoped3A : memref<!tpu.dma_semaphore, #tpu.memory_space<semaphore_mem>>) src(%arg11 : memref<1000x32xf32, #tpu.memory_space<vmem>>) dst(%dma_wait3A_342 : memref<1000x32xf32, #tpu.memory_space<hbm>>)
        tpu.yield
      }) : () -> ()
    }
    %scan3A_5 = arith.constant 10 : i32
    return
  }
}

module attributes {stable_mosaic.version = 14 : i64} {
  func.func @_xform_body(%arg0: i32, %arg1: memref<2000x128xf32, #tpu.memory_space<vmem>>, %arg2: memref<128x32xf32, #tpu.memory_space<vmem>>, %arg3: memref<1x32xf32, #tpu.memory_space<vmem>>, %arg4: memref<128x32xf32, #tpu.memory_space<vmem>>, %arg5: memref<1x32xf32, #tpu.memory_space<vmem>>, %arg6: memref<2000x32xf32, #tpu.memory_space<vmem>>, %arg7: memref<2000x32xf32, #tpu.memory_space<vmem>>) attributes {dimension_semantics = [#tpu.dimension_semantics<arbitrary>], iteration_bounds = array<i64: 5>, scalar_prefetch = 0 : i64, scratch_operands = 0 : i64, tpu.core_type = #tpu.core_type<tc>, window_params = [{transform_indices = @transform_0, window_bounds = array<i64: 2000, 128>}, {pipeline_mode = #tpu.pipeline_mode<synchronous>, transform_indices = @transform_1, window_bounds = array<i64: 128, 32>}, {pipeline_mode = #tpu.pipeline_mode<synchronous>, transform_indices = @transform_2, window_bounds = array<i64: 1, 32>}, {pipeline_mode = #tpu.pipeline_mode<synchronous>, transform_indices = @transform_3, window_bounds = array<i64: 128, 32>}, {pipeline_mode = #tpu.pipeline_mode<synchronous>, transform_indices = @transform_4, window_bounds = array<i64: 1, 32>}, {transform_indices = @transform_5, window_bounds = array<i64: 2000, 32>}, {transform_indices = @transform_6, window_bounds = array<i64: 2000, 32>}]} {
    %get3A = arith.constant 0 : index
    %get3A_0 = arith.constant 0 : index
    %get3A_1 = vector.load %arg1[%get3A, %get3A_0] : memref<2000x128xf32, #tpu.memory_space<vmem>>, vector<2000x128xf32>
    %get3A_2 = arith.constant 0 : index
    %get3A_3 = arith.constant 0 : index
    %get3A_4 = vector.load %arg2[%get3A_2, %get3A_3] : memref<128x32xf32, #tpu.memory_space<vmem>>, vector<128x32xf32>
    %dot_general3A = arith.constant dense<0.000000e+00> : vector<2000x32xf32>
    %dot_general3A_5 = tpu.matmul %get3A_1, %get3A_4, %dot_general3A {dimension_numbers = #tpu.dot_dimension_numbers<[1], [0], [0], [1], [0, 0, 1, 1], [], []>, transpose_lhs_hint = false} : vector<2000x128xf32>, vector<128x32xf32>, vector<2000x32xf32> -> vector<2000x32xf32>
    %get3A_6 = arith.constant 0 : index
    %get3A_7 = arith.constant 0 : index
    %get3A_8 = vector.load %arg3[%get3A_6, %get3A_7] : memref<1x32xf32, #tpu.memory_space<vmem>>, vector<1x32xf32>
    %add3A = vector.broadcast %get3A_8 : vector<1x32xf32> to vector<2000x32xf32>
    %add3A_9 = arith.addf %dot_general3A_5, %add3A : vector<2000x32xf32>
    %swap3A = arith.constant 0 : index
    %swap3A_10 = arith.constant 0 : index
    %swap3A_11 = vector.load %arg6[%swap3A, %swap3A_10] : memref<2000x32xf32, #tpu.memory_space<vmem>>, vector<2000x32xf32>
    tpu.vector_store %arg6[%swap3A, %swap3A_10], %add3A_9 {strides = array<i32>} : memref<2000x32xf32, #tpu.memory_space<vmem>>, vector<2000x32xf32>,
    %get3A_12 = arith.constant 0 : index
    %get3A_13 = arith.constant 0 : index
    %get3A_14 = vector.load %arg4[%get3A_12, %get3A_13] : memref<128x32xf32, #tpu.memory_space<vmem>>, vector<128x32xf32>
    %dot_general3A_15 = arith.constant dense<0.000000e+00> : vector<2000x32xf32>
    %dot_general3A_16 = tpu.matmul %get3A_1, %get3A_14, %dot_general3A_15 {dimension_numbers = #tpu.dot_dimension_numbers<[1], [0], [0], [1], [0, 0, 1, 1], [], []>, transpose_lhs_hint = false} : vector<2000x128xf32>, vector<128x32xf32>, vector<2000x32xf32> -> vector<2000x32xf32>
    %get3A_17 = arith.constant 0 : index
    %get3A_18 = arith.constant 0 : index
    %get3A_19 = vector.load %arg5[%get3A_17, %get3A_18] : memref<1x32xf32, #tpu.memory_space<vmem>>, vector<1x32xf32>
    %add3A_20 = vector.broadcast %get3A_19 : vector<1x32xf32> to vector<2000x32xf32>
    %add3A_21 = arith.addf %dot_general3A_16, %add3A_20 : vector<2000x32xf32>
    %swap3A_22 = arith.constant 0 : index
    %swap3A_23 = arith.constant 0 : index
    %swap3A_24 = vector.load %arg7[%swap3A_22, %swap3A_23] : memref<2000x32xf32, #tpu.memory_space<vmem>>, vector<2000x32xf32>
    tpu.vector_store %arg7[%swap3A_22, %swap3A_23], %add3A_21 {strides = array<i32>} : memref<2000x32xf32, #tpu.memory_space<vmem>>, vector<2000x32xf32>,
    return
  }
  func.func @transform_0(%arg0: i32) -> (i32, i32) {
    %c0_i32 = arith.constant 0 : i32
    %c0_i32_0 = arith.constant 0 : i32
    return %arg0, %c0_i32 : i32, i32
  }
  func.func @transform_1(%arg0: i32) -> (i32, i32) {
    %c0_i32 = arith.constant 0 : i32
    %c0_i32_0 = arith.constant 0 : i32
    %c0_i32_1 = arith.constant 0 : i32
    return %c0_i32, %c0_i32_0 : i32, i32
  }
  func.func @transform_2(%arg0: i32) -> (i32, i32) {
    %c0_i32 = arith.constant 0 : i32
    %c0_i32_0 = arith.constant 0 : i32
    %c0_i32_1 = arith.constant 0 : i32
    return %c0_i32, %c0_i32_0 : i32, i32
  }
  func.func @transform_3(%arg0: i32) -> (i32, i32) {
    %c0_i32 = arith.constant 0 : i32
    %c0_i32_0 = arith.constant 0 : i32
    %c0_i32_1 = arith.constant 0 : i32
    return %c0_i32, %c0_i32_0 : i32, i32
  }
  func.func @transform_4(%arg0: i32) -> (i32, i32) {
    %c0_i32 = arith.constant 0 : i32
    %c0_i32_0 = arith.constant 0 : i32
    %c0_i32_1 = arith.constant 0 : i32
    return %c0_i32, %c0_i32_0 : i32, i32
  }
  func.func @transform_5(%arg0: i32) -> (i32, i32) {
    %c0_i32 = arith.constant 0 : i32
    %c0_i32_0 = arith.constant 0 : i32
    return %arg0, %c0_i32 : i32, i32
  }
  func.func @transform_6(%arg0: i32) -> (i32, i32) {
    %c0_i32 = arith.constant 0 : i32
    %c0_i32_0 = arith.constant 0 : i32
    return %arg0, %c0_i32 : i32, i32
  }
}

module attributes {stable_mosaic.version = 14 : i64} {
  func.func @_edge_body(%arg0: i32, %arg1: memref<2000x128xf32, #tpu.memory_space<vmem>>, %arg2: memref<2000x128xf32, #tpu.memory_space<vmem>>, %arg3: memref<128x8xf32, #tpu.memory_space<vmem>>, %arg4: memref<8x128xf32, #tpu.memory_space<vmem>>, %arg5: memref<2000x128xf32, #tpu.memory_space<vmem>>, %arg6: memref<2000x8xf32, #tpu.memory_space<vmem>>) attributes {dimension_semantics = [#tpu.dimension_semantics<arbitrary>], iteration_bounds = array<i64: 40>, scalar_prefetch = 0 : i64, scratch_operands = 0 : i64, tpu.core_type = #tpu.core_type<tc>, window_params = [{transform_indices = @transform_0, window_bounds = array<i64: 2000, 128>}, {transform_indices = @transform_1, window_bounds = array<i64: 2000, 128>}, {pipeline_mode = #tpu.pipeline_mode<synchronous>, transform_indices = @transform_2, window_bounds = array<i64: 128, 8>}, {pipeline_mode = #tpu.pipeline_mode<synchronous>, transform_indices = @transform_3, window_bounds = array<i64: 8, 128>}, {transform_indices = @transform_4, window_bounds = array<i64: 2000, 128>}, {transform_indices = @transform_5, window_bounds = array<i64: 2000, 8>}]} {
    %get3A = arith.constant 0 : index
    %get3A_0 = arith.constant 0 : index
    %get3A_1 = vector.load %arg1[%get3A, %get3A_0] : memref<2000x128xf32, #tpu.memory_space<vmem>>, vector<2000x128xf32>
    %get3A_2 = arith.constant 0 : index
    %get3A_3 = arith.constant 0 : index
    %get3A_4 = vector.load %arg2[%get3A_2, %get3A_3] : memref<2000x128xf32, #tpu.memory_space<vmem>>, vector<2000x128xf32>
    %add3A = arith.addf %get3A_1, %get3A_4 : vector<2000x128xf32>
    %mul3A = arith.constant 2.000000e-01 : f32
    %mul3A_5 = vector.broadcast %mul3A : f32 to vector<2000x128xf32>
    %mul3A_6 = arith.mulf %mul3A_5, %add3A : vector<2000x128xf32>
    %max3A = arith.maximumf %add3A, %mul3A_6 : vector<2000x128xf32>
    %get3A_7 = arith.constant 0 : index
    %get3A_8 = arith.constant 0 : index
    %get3A_9 = vector.load %arg3[%get3A_7, %get3A_8] : memref<128x8xf32, #tpu.memory_space<vmem>>, vector<128x8xf32>
    %dot_general3A = arith.constant dense<0.000000e+00> : vector<2000x8xf32>
    %dot_general3A_10 = tpu.matmul %max3A, %get3A_9, %dot_general3A {dimension_numbers = #tpu.dot_dimension_numbers<[1], [0], [0], [1], [0, 0, 1, 1], [], []>, transpose_lhs_hint = false} : vector<2000x128xf32>, vector<128x8xf32>, vector<2000x8xf32> -> vector<2000x8xf32>
    %exp3A = math.exp %dot_general3A_10 : vector<2000x8xf32>
    %get3A_11 = arith.constant 0 : index
    %get3A_12 = arith.constant 0 : index
    %get3A_13 = vector.load %arg4[%get3A_11, %get3A_12] : memref<8x128xf32, #tpu.memory_space<vmem>>, vector<8x128xf32>
    %dot_general3A_14 = arith.constant dense<0.000000e+00> : vector<2000x128xf32>
    %dot_general3A_15 = tpu.matmul %exp3A, %get3A_13, %dot_general3A_14 {dimension_numbers = #tpu.dot_dimension_numbers<[1], [0], [0], [1], [0, 0, 1, 1], [], []>, transpose_lhs_hint = false} : vector<2000x8xf32>, vector<8x128xf32>, vector<2000x128xf32> -> vector<2000x128xf32>
    %mul3A_16 = arith.mulf %get3A_1, %dot_general3A_15 : vector<2000x128xf32>
    %swap3A = arith.constant 0 : index
    %swap3A_17 = arith.constant 0 : index
    %swap3A_18 = vector.load %arg5[%swap3A, %swap3A_17] : memref<2000x128xf32, #tpu.memory_space<vmem>>, vector<2000x128xf32>
    tpu.vector_store %arg5[%swap3A, %swap3A_17], %mul3A_16 {strides = array<i32>} : memref<2000x128xf32, #tpu.memory_space<vmem>>, vector<2000x128xf32>,
    %swap3A_19 = arith.constant 0 : index
    %swap3A_20 = arith.constant 0 : index
    %swap3A_21 = vector.load %arg6[%swap3A_19, %swap3A_20] : memref<2000x8xf32, #tpu.memory_space<vmem>>, vector<2000x8xf32>
    tpu.vector_store %arg6[%swap3A_19, %swap3A_20], %exp3A {strides = array<i32>} : memref<2000x8xf32, #tpu.memory_space<vmem>>, vector<2000x8xf32>,
    return
  }
  func.func @transform_0(%arg0: i32) -> (i32, i32) {
    %c0_i32 = arith.constant 0 : i32
    %c0_i32_0 = arith.constant 0 : i32
    return %arg0, %c0_i32 : i32, i32
  }
  func.func @transform_1(%arg0: i32) -> (i32, i32) {
    %c0_i32 = arith.constant 0 : i32
    %c0_i32_0 = arith.constant 0 : i32
    return %arg0, %c0_i32 : i32, i32
  }
  func.func @transform_2(%arg0: i32) -> (i32, i32) {
    %c0_i32 = arith.constant 0 : i32
    %c0_i32_0 = arith.constant 0 : i32
    %c0_i32_1 = arith.constant 0 : i32
    return %c0_i32, %c0_i32_0 : i32, i32
  }
  func.func @transform_3(%arg0: i32) -> (i32, i32) {
    %c0_i32 = arith.constant 0 : i32
    %c0_i32_0 = arith.constant 0 : i32
    %c0_i32_1 = arith.constant 0 : i32
    return %c0_i32, %c0_i32_0 : i32, i32
  }
  func.func @transform_4(%arg0: i32) -> (i32, i32) {
    %c0_i32 = arith.constant 0 : i32
    %c0_i32_0 = arith.constant 0 : i32
    return %arg0, %c0_i32 : i32, i32
  }
  func.func @transform_5(%arg0: i32) -> (i32, i32) {
    %c0_i32 = arith.constant 0 : i32
    %c0_i32_0 = arith.constant 0 : i32
    return %arg0, %c0_i32 : i32, i32
  }
}

module attributes {stable_mosaic.version = 14 : i64} {
  func.func @_final_body(%arg0: i32, %arg1: memref<2x2000x32xf32, #tpu.memory_space<vmem>>, %arg2: memref<2x2000x2xf32, #tpu.memory_space<vmem>>, %arg3: memref<2x32xf32, #tpu.memory_space<vmem>>, %arg4: memref<1x32xf32, #tpu.memory_space<vmem>>, %arg5: memref<32x32xf32, #tpu.memory_space<vmem>>, %arg6: memref<1x32xf32, #tpu.memory_space<vmem>>, %arg7: memref<32x2xf32, #tpu.memory_space<vmem>>, %arg8: memref<1x2xf32, #tpu.memory_space<vmem>>, %arg9: memref<2000x2xf32, #tpu.memory_space<vmem>>) attributes {dimension_semantics = [#tpu.dimension_semantics<arbitrary>], iteration_bounds = array<i64: 5>, scalar_prefetch = 0 : i64, scratch_operands = 0 : i64, tpu.core_type = #tpu.core_type<tc>, window_params = [{transform_indices = @transform_0, window_bounds = array<i64: 2, 2000, 32>}, {transform_indices = @transform_1, window_bounds = array<i64: 2, 2000, 2>}, {pipeline_mode = #tpu.pipeline_mode<synchronous>, transform_indices = @transform_2, window_bounds = array<i64: 2, 32>}, {pipeline_mode = #tpu.pipeline_mode<synchronous>, transform_indices = @transform_3, window_bounds = array<i64: 1, 32>}, {pipeline_mode = #tpu.pipeline_mode<synchronous>, transform_indices = @transform_4, window_bounds = array<i64: 32, 32>}, {pipeline_mode = #tpu.pipeline_mode<synchronous>, transform_indices = @transform_5, window_bounds = array<i64: 1, 32>}, {pipeline_mode = #tpu.pipeline_mode<synchronous>, transform_indices = @transform_6, window_bounds = array<i64: 32, 2>}, {pipeline_mode = #tpu.pipeline_mode<synchronous>, transform_indices = @transform_7, window_bounds = array<i64: 1, 2>}, {transform_indices = @transform_8, window_bounds = array<i64: 2000, 2>}]} {
    %get3A = arith.constant 0 : index
    %get3A_0 = arith.constant 0 : index
    %get3A_1 = arith.constant 0 : index
    %get3A_2 = vector.load %arg1[%get3A, %get3A_0, %get3A_1] : memref<2x2000x32xf32, #tpu.memory_space<vmem>>, vector<1x2000x32xf32>
    %get3A_3 = vector.shape_cast %get3A_2 : vector<1x2000x32xf32> to vector<2000x32xf32>
    %get3A_4 = arith.constant 1 : index
    %get3A_5 = arith.constant 0 : index
    %get3A_6 = arith.constant 0 : index
    %get3A_7 = vector.load %arg1[%get3A_4, %get3A_5, %get3A_6] : memref<2x2000x32xf32, #tpu.memory_space<vmem>>, vector<1x2000x32xf32>
    %get3A_8 = vector.shape_cast %get3A_7 : vector<1x2000x32xf32> to vector<2000x32xf32>
    %add3A = arith.addf %get3A_3, %get3A_8 : vector<2000x32xf32>
    %get3A_9 = arith.constant 0 : index
    %get3A_10 = arith.constant 0 : index
    %get3A_11 = arith.constant 0 : index
    %get3A_12 = vector.load %arg2[%get3A_9, %get3A_10, %get3A_11] : memref<2x2000x2xf32, #tpu.memory_space<vmem>>, vector<2x2000x2xf32>
    %reduce_sum3A = arith.constant dense<0.000000e+00> : vector<2000x2xf32>
    %reduce_sum3A_13 = vector.multi_reduction <add>, %get3A_12, %reduce_sum3A [0] : vector<2x2000x2xf32> to vector<2000x2xf32>
    %add3A_14 = arith.constant 1.000000e-16 : f32
    %add3A_15 = vector.broadcast %add3A_14 : f32 to vector<2000x2xf32>
    %add3A_16 = arith.addf %reduce_sum3A_13, %add3A_15 : vector<2000x2xf32>
    %div3A = arith.constant 1.000000e+00 : f32
    %div3A_17 = vector.broadcast %div3A : f32 to vector<2000x2xf32>
    %div3A_18 = arith.divf %div3A_17, %add3A_16 : vector<2000x2xf32>
    %get3A_19 = arith.constant 0 : index
    %get3A_20 = arith.constant 0 : index
    %get3A_21 = vector.load %arg3[%get3A_19, %get3A_20] : memref<2x32xf32, #tpu.memory_space<vmem>>, vector<2x32xf32>
    %dot_general3A = arith.constant dense<0.000000e+00> : vector<2000x32xf32>
    %dot_general3A_22 = tpu.matmul %div3A_18, %get3A_21, %dot_general3A {dimension_numbers = #tpu.dot_dimension_numbers<[1], [0], [0], [1], [0, 0, 1, 1], [], []>, transpose_lhs_hint = false} : vector<2000x2xf32>, vector<2x32xf32>, vector<2000x32xf32> -> vector<2000x32xf32>
    %mul3A = arith.mulf %add3A, %dot_general3A_22 : vector<2000x32xf32>
    %get3A_23 = arith.constant 0 : index
    %get3A_24 = arith.constant 0 : index
    %get3A_25 = vector.load %arg4[%get3A_23, %get3A_24] : memref<1x32xf32, #tpu.memory_space<vmem>>, vector<1x32xf32>
    %add3A_26 = vector.broadcast %get3A_25 : vector<1x32xf32> to vector<2000x32xf32>
    %add3A_27 = arith.addf %mul3A, %add3A_26 : vector<2000x32xf32>
    %get3A_28 = arith.constant 0 : index
    %get3A_29 = arith.constant 0 : index
    %get3A_30 = vector.load %arg5[%get3A_28, %get3A_29] : memref<32x32xf32, #tpu.memory_space<vmem>>, vector<32x32xf32>
    %dot_general3A_31 = arith.constant dense<0.000000e+00> : vector<2000x32xf32>
    %dot_general3A_32 = tpu.matmul %add3A_27, %get3A_30, %dot_general3A_31 {dimension_numbers = #tpu.dot_dimension_numbers<[1], [0], [0], [1], [0, 0, 1, 1], [], []>, transpose_lhs_hint = false} : vector<2000x32xf32>, vector<32x32xf32>, vector<2000x32xf32> -> vector<2000x32xf32>
    %get3A_33 = arith.constant 0 : index
    %get3A_34 = arith.constant 0 : index
    %get3A_35 = vector.load %arg6[%get3A_33, %get3A_34] : memref<1x32xf32, #tpu.memory_space<vmem>>, vector<1x32xf32>
    %add3A_36 = vector.broadcast %get3A_35 : vector<1x32xf32> to vector<2000x32xf32>
    %add3A_37 = arith.addf %dot_general3A_32, %add3A_36 : vector<2000x32xf32>
    %max3A = arith.constant 0.000000e+00 : f32
    %max3A_38 = vector.broadcast %max3A : f32 to vector<2000x32xf32>
    %max3A_39 = arith.maximumf %add3A_37, %max3A_38 : vector<2000x32xf32>
    %get3A_40 = arith.constant 0 : index
    %get3A_41 = arith.constant 0 : index
    %get3A_42 = vector.load %arg7[%get3A_40, %get3A_41] : memref<32x2xf32, #tpu.memory_space<vmem>>, vector<32x2xf32>
    %dot_general3A_43 = arith.constant dense<0.000000e+00> : vector<2000x2xf32>
    %dot_general3A_44 = tpu.matmul %max3A_39, %get3A_42, %dot_general3A_43 {dimension_numbers = #tpu.dot_dimension_numbers<[1], [0], [0], [1], [0, 0, 1, 1], [], []>, transpose_lhs_hint = false} : vector<2000x32xf32>, vector<32x2xf32>, vector<2000x2xf32> -> vector<2000x2xf32>
    %get3A_45 = arith.constant 0 : index
    %get3A_46 = arith.constant 0 : index
    %get3A_47 = vector.load %arg8[%get3A_45, %get3A_46] : memref<1x2xf32, #tpu.memory_space<vmem>>, vector<1x2xf32>
    %add3A_48 = vector.broadcast %get3A_47 : vector<1x2xf32> to vector<2000x2xf32>
    %add3A_49 = arith.addf %dot_general3A_44, %add3A_48 : vector<2000x2xf32>
    %swap3A = arith.constant 0 : index
    %swap3A_50 = arith.constant 0 : index
    %swap3A_51 = vector.load %arg9[%swap3A, %swap3A_50] : memref<2000x2xf32, #tpu.memory_space<vmem>>, vector<2000x2xf32>
    tpu.vector_store %arg9[%swap3A, %swap3A_50], %add3A_49 {strides = array<i32>} : memref<2000x2xf32, #tpu.memory_space<vmem>>, vector<2000x2xf32>,
    return
  }
  func.func @transform_0(%arg0: i32) -> (i32, i32, i32) {
    %c0_i32 = arith.constant 0 : i32
    %c0_i32_0 = arith.constant 0 : i32
    %c0_i32_1 = arith.constant 0 : i32
    return %c0_i32, %arg0, %c0_i32_0 : i32, i32, i32
  }
  func.func @transform_1(%arg0: i32) -> (i32, i32, i32) {
    %c0_i32 = arith.constant 0 : i32
    %c0_i32_0 = arith.constant 0 : i32
    %c0_i32_1 = arith.constant 0 : i32
    return %c0_i32, %arg0, %c0_i32_0 : i32, i32, i32
  }
  func.func @transform_2(%arg0: i32) -> (i32, i32) {
    %c0_i32 = arith.constant 0 : i32
    %c0_i32_0 = arith.constant 0 : i32
    %c0_i32_1 = arith.constant 0 : i32
    return %c0_i32, %c0_i32_0 : i32, i32
  }
  func.func @transform_3(%arg0: i32) -> (i32, i32) {
    %c0_i32 = arith.constant 0 : i32
    %c0_i32_0 = arith.constant 0 : i32
    %c0_i32_1 = arith.constant 0 : i32
    return %c0_i32, %c0_i32_0 : i32, i32
  }
  func.func @transform_4(%arg0: i32) -> (i32, i32) {
    %c0_i32 = arith.constant 0 : i32
    %c0_i32_0 = arith.constant 0 : i32
    %c0_i32_1 = arith.constant 0 : i32
    return %c0_i32, %c0_i32_0 : i32, i32
  }
  func.func @transform_5(%arg0: i32) -> (i32, i32) {
    %c0_i32 = arith.constant 0 : i32
    %c0_i32_0 = arith.constant 0 : i32
    %c0_i32_1 = arith.constant 0 : i32
    return %c0_i32, %c0_i32_0 : i32, i32
  }
  func.func @transform_6(%arg0: i32) -> (i32, i32) {
    %c0_i32 = arith.constant 0 : i32
    %c0_i32_0 = arith.constant 0 : i32
    %c0_i32_1 = arith.constant 0 : i32
    return %c0_i32, %c0_i32_0 : i32, i32
  }
  func.func @transform_7(%arg0: i32) -> (i32, i32) {
    %c0_i32 = arith.constant 0 : i32
    %c0_i32_0 = arith.constant 0 : i32
    %c0_i32_1 = arith.constant 0 : i32
    return %c0_i32, %c0_i32_0 : i32, i32
  }
  func.func @transform_8(%arg0: i32) -> (i32, i32) {
    %c0_i32 = arith.constant 0 : i32
    %c0_i32_0 = arith.constant 0 : i32
    return %arg0, %c0_i32 : i32, i32
  }
}

</mosaic_0001>

<sc_bundles>
// kernel: kernel.10.cloned.1.call-start
scs
__scs_entry_jumppad:
0x0: {  	(pc) =	sbr.rel $0x88, $3  }
0x1: {  	(tag) =	ssettag $0x0;
	lr =	simm.s32 $0x1  }
0x2: {  	[smem:$0x3F95] =	sst lr;
	_ =	strace $0xD0000000  }
0x3: {  	_ = 	snop  }
0x4: {  	_ = 	snop  }
0x5: {  	_ = 	snop  }
0x6: {  	_ = 	snop  }
0x7: {  	_ = 	snop  }
__scs_overlays_trampoline_lowered:
0x8: {  	[smem:$0x3FA4] =	sst s0  }
0x9: {  	[smem:$0x3FA5] =	sst s1  }
0xa: {  	[smem:$0x3FA6] =	sst s2  }
0xb: {  	[smem:$0x3FA7] =	sst s3  }
0xc: {  	[smem:$0x3FA8] =	sst s4  }
0xd: {  	[smem:$0x3FA9] =	sst s5  }
0xe: {  	[smem:$0x3FAA] =	sst s6  }
0xf: {  	[smem:$0x3FAB] =	sst s7  }
0x10: {  	[smem:$0x3FAC] =	sst s8  }
0x11: {  	[smem:$0x3FAD] =	sst s9;
	s0 =	simm.s32 @!p0 $0x0  }
0x12: {  	s1 =	sld [smem:$0x3F93];
	s0 =	simm.s32 @p0 $0x1  }
0x13: {  	[smem:$0x3FAE] =	sst s0;
	s0 =	simm.s32 @!p1 $0x0  }
0x14: {  	s2 =	sld [smem:$0x3F92];
	s0 =	simm.s32 @p1 $0x1  }
0x15: {  	[smem:$0x3FAF] =	sst s0;
	s0 =	simm.s32 @!p2 $0x0  }
0x16: {  	s3 =	sld [smem:$0x3FDB];
	s0 =	simm.s32 @p2 $0x1  }
0x17: {  	s4 =	simm.s32 $0x1BF5;
	[smem:$0x3FB1] =	sst s0  }
0x18: {  	s0 =	sld [smem:$0x3F94];
	_ =	swait.ge [sflag:s4], $0x0  }
0x19: {  	s7 =	sld [smem:$0x3F95]  }
0x1a: {  	s8 =	sadd.s32 $0xFFFFE003, lr  }
0x1b: {  	s9 =	sadd.s32 $0xFFFFFEF7, lr;
	s5 =	simm.s32 $0xFFFFFFFF;
	p2 =	slt.u32 s8, $0xFFFFF086  }
0x1c: {  	p1 =	slt.u32 s9, $0xF7A;
	s5 =	simm.s32 @!p2 $0x0  }
0x1d: {  	s5 =	simm.s32 @p1 $0x1;
	p0 =	seq.s32 s7, s2  }
0x1e: {  	s7 =	smul.u32 @!p0 $0xF7A, s2;
	p2 =	seq.s32 @!p0 s5, $0x0  }
0x1f: {  	s9 =	smul.u32 $0xF7A, s1;
	s8 =	simm.s32 @!p0 $0x1BF5;
	p2 =	por !p2, p0  }
0x20: {  	[sflag:s8] =	ssyncset.s32 @!p0 $0xFFFFF086;
	s6 =	sadd.s32 @!p0 s3, s7;
	s7 =	simm.s32 @!p0 $0x108  }
0x21: {  	s3 =	sadd.s32 s3, s9;
	s6 =	sadd.s32 @!p0 $0x88, s6;
	s7 =	simm.s32 @p2 $0x1082  }
0x22: {  	[simem:s7], [sflag:s8] =	dma.local @!p0 [hbm:s6], $0xF7A  }
0x23: {  	s9 =	sor.u32 $0xD0000000, s2;
	s6 =	simm.s32 $0x108;
	_ =	swait.ge @!p0 [sflag:s8], $0x0  }
0x24: {  	s3 =	sadd.s32 $0x88, s3;
	s6 =	simm.s32 @!p1 $0x1082;
	[sflag:s4] =	ssyncset.s32 $0xFFFFF086  }
0x25: {  	[simem:s6], [sflag:s4] =	dma.local [hbm:s3], $0xF7A  }
0x26: {  	[smem:$0x3F95] =	sst s1;
	(tag) =	ssettag s2;
	_ =	strace s9  }
0x27: {  	s1 =	sld [smem:$0x3FA5]  }
0x28: {  	s2 =	sld [smem:$0x3FA6]  }
0x29: {  	s4 =	sld [smem:$0x3FA8]  }
0x2a: {  	p0 =	seq.s32 s5, $0x0;
	s5 =	sld [smem:$0x3FA9]  }
0x2b: {  	s6 =	sld [smem:$0x3FAA]  }
0x2c: {  	s7 =	sld [smem:$0x3FAB]  }
0x2d: {  	s3 =	simm.s32 $0x108;
	s8 =	sld [smem:$0x3FAC]  }
0x2e: {  	s3 =	simm.s32 @!p0 $0x1082;
	s9 =	sld [smem:$0x3FAD]  }
0x2f: {  	lr =	sadd.s32 s0, s3;
	s0 =	sld [smem:$0x3FA4]  }
0x30: {  	s3 =	sld [smem:$0x3FA7]  }
0x31: {  	[smem:$0x3FB0] =	sst s10  }
0x32: {  	s10 =	sld [smem:$0x3FAE];
	_ =	sdelay $0x3  }
0x33: {  	p0 =	seq.s32 s10, $0x1;
	s10 =	sld [smem:$0x3FB0];
	_ =	sdelay $0x3  }
0x34: {  	[smem:$0x3FB0] =	sst s10  }
0x35: {  	s10 =	sld [smem:$0x3FAF];
	_ =	sdelay $0x3  }
0x36: {  	p1 =	seq.s32 s10, $0x1;
	s10 =	sld [smem:$0x3FB0];
	_ =	sdelay $0x3  }
0x37: {  	[smem:$0x3FB0] =	sst s10  }
0x38: {  	s10 =	sld [smem:$0x3FB1]  }
0x39: {  	_ = 	snop;
	(pc) =	sbr.ind lr, $3  }
0x3a: {  	_ = 	snop  }
0x3b: {  	_ = 	snop  }
0x3c: {  	p2 =	seq.s32 s10, $0x1;
	s10 =	sld [smem:$0x3FB0]  }
0x3d: {  	_ =	shalt  }
0x3e: {  	_ =	shalt  }
0x3f: {  	_ =	shalt  }
0x40: {  	_ =	shalt  }
0x41: {  	_ =	shalt  }
0x42: {  	_ =	shalt  }
0x43: {  	_ =	shalt  }
0x44: {  	_ =	shalt  }
0x45: {  	_ =	shalt  }
0x46: {  	_ =	shalt  }
0x47: {  	_ =	shalt  }
0x48: {  	_ =	shalt  }
0x49: {  	_ =	shalt  }
0x4a: {  	_ =	shalt  }
0x4b: {  	_ =	shalt  }
0x4c: {  	_ =	shalt  }
0x4d: {  	_ =	shalt  }
0x4e: {  	_ =	shalt  }
0x4f: {  	_ =	shalt  }
0x50: {  	_ =	shalt  }
0x51: {  	_ =	shalt  }
0x52: {  	_ =	shalt  }
0x53: {  	_ =	shalt  }
0x54: {  	_ =	shalt  }
0x55: {  	_ =	shalt  }
0x56: {  	_ =	shalt  }
0x57: {  	_ =	shalt  }
0x58: {  	_ =	shalt  }
0x59: {  	_ =	shalt  }
0x5a: {  	_ =	shalt  }
0x5b: {  	_ =	shalt  }
0x5c: {  	_ =	shalt  }
0x5d: {  	_ =	shalt  }
0x5e: {  	_ =	shalt  }
0x5f: {  	_ =	shalt  }
0x60: {  	_ =	shalt  }
0x61: {  	_ =	shalt  }
0x62: {  	_ =	shalt  }
0x63: {  	_ =	shalt  }
0x64: {  	_ =	shalt  }
0x65: {  	_ =	shalt  }
0x66: {  	_ =	shalt  }
0x67: {  	_ =	shalt  }
0x68: {  	_ =	shalt  }
0x69: {  	_ =	shalt  }
0x6a: {  	_ =	shalt  }
0x6b: {  	_ =	shalt  }
0x6c: {  	_ =	shalt  }
0x6d: {  	_ =	shalt  }
0x6e: {  	_ =	shalt  }
0x6f: {  	_ =	shalt  }
0x70: {  	_ =	shalt  }
0x71: {  	_ =	shalt  }
0x72: {  	_ =	shalt  }
0x73: {  	_ =	shalt  }
0x74: {  	_ =	shalt  }
0x75: {  	_ =	shalt  }
0x76: {  	_ =	shalt  }
0x77: {  	_ =	shalt  }
0x78: {  	_ =	shalt  }
0x79: {  	_ =	shalt  }
0x7a: {  	_ =	shalt  }
0x7b: {  	_ =	shalt  }
0x7c: {  	_ =	shalt  }
0x7d: {  	_ =	shalt  }
0x7e: {  	_ =	shalt  }
0x7f: {  	_ =	shalt  }
0x80: {  	_ =	shalt  }
0x81: {  	_ =	shalt  }
0x82: {  	_ =	shalt  }
0x83: {  	_ =	shalt  }
0x84: {  	_ =	shalt  }
0x85: {  	_ =	shalt  }
0x86: {  	_ =	shalt  }
0x87: {  	_ =	shalt  }
.Lfunc_end0:
.L_simem_size_0:
called_computation.1_lowered:
.L_overlay_start_0:
0x88: {  	s2 =	sld [smem:$0x3FD9]  }
0x89: {  	s3 =	sld [smem:$0x3FFE];
	_ =	sdelay $0x1  }
0x8a: {  	s1 =	srdreg.scid  }
0x8b: {  	s0 =	sand.u32 $0x1, s1  }
0x8c: {  	s16 =	sshll.u32 s0, $0xA;
	s2 =	sadd.s32 s3, s2  }
0x8d: {  	s2 =	sadd.s32 s2, s16  }
0x8e: {  	[smem:$0x3FBC] =	sst s2  }
0x8f: {  	_ = 	snop  }
0x90: {  	(tm) =	ssettm $0x1  }
0x91: {  	s17 =	sld [smem:$0x3FFB];
	_ =	sdelay $0x3  }
0x92: {  	_ =	strace s17  }
0x93: {  	s2 =	sld [smem:$0x3FFC];
	_ =	sdelay $0x3  }
0x94: {  	_ =	strace s2  }
0x95: {  	s2 =	sld [smem:$0x3FFD];
	_ =	sdelay $0x3  }
0x96: {  	_ =	strace s2  }
0x97: {  	_ =	strace $0x8FFFFFFF  }
0x98: {  	s18 =	sld [smem:$0x3FDB];
	_ =	sdelay $0x1  }
0x99: {  	s19 =	simm.s32 $_scs_section_size  }
0x9a: {  	s4 =	simm.s32 $_size__tile_overlayer_lowered;
	s5 =	simm.s32 $_tile_overlayer_lowered  }
0x9b: {  	s22 =	simm.s32 $0x1BFF;
	s21 =	sshll.u32 s5, $0x1;
	s2 =	sadd.s32 s19, s18  }
0x9c: {  	s6 =	simm.s32 $0x0;
	s20 =	sshll.u32 s4, $0x1;
	s4 =	sadd.s32 s21, s2  }
0x9d: {  	[timem:s6], [sflag:s22] =	dma.local [hbm:s4], s20  }
0x9e: {  	_ =	swait.ge [sflag:s22], s20  }
0x9f: {  	s3 =	ssub.s32 $0x0, s20;
	[sflag:s22] =	ssyncset.done $0x0  }
0xa0: {  	[sflag:s22] =	ssyncadd.s32 s3;
	_ =	sdelay $0x1  }
0xa1: {  	s23 =	simm.s32 $0x1B8B  }
0xa2: {  	_ =	swait.ge [sflag:s23], $0x1  }
0xa3: {  	[sflag:s23] =	ssyncset.done $0x0  }
0xa4: {  	s25 =	simm.s32 $0x1B8E;
	s24 =	sld [smem:$0x3FFE];
	[sflag:s23] =	ssyncadd.s32 $0xFFFFFFFF  }
0xa5: {  	s26 =	simm.s32 $execute0_lowered;
	[smem:$0x3FD2] =	sst s25  }
0xa6: {  	s4 =	sshll.u32 s26, $0x1;
	_ =	strace $0x80000049;
	[dreg:$0x1] =	wrdreg $0xFFFFFFFF  }
0xa7: {  	s28 =	simm.s32 $_size_execute0_lowered;
	s2 =	sadd.s32 s2, s4;
	[dreg:$0x0] =	wrdreg $0x0  }
0xa8: {  	s4 =	sshll.u32 s28, $0x1;
	[dreg:$0x2] =	wrdreg s2  }
0xa9: {  	[dreg:$0x3] =	wrdreg s4  }
0xaa: {  	[dreg:$0x4] =	wrdreg $0xC0  }
0xab: {  	_ =	task [dreg:s6], $0x5FFFF  }
0xac: {  	[dreg:$0x1] =	wrdreg $0xFFFFFFFF  }
0xad: {  	[dreg:$0x0] =	wrdreg $0x60  }
0xae: {  	[dreg:$0x2] =	wrdreg s24  }
0xaf: {  	[dreg:$0x3] =	wrdreg $0x10CC80  }
0xb0: {  	[dreg:$0x4] =	wrdreg $0x15AE80  }
0xb1: {  	[dreg:$0x5] =	wrdreg $0x9  }
0xb2: {  	_ =	task.clear_ibuf [dreg:s6], $0x6FFFF;
	_ =	strace $0x90000049  }
0xb3: {  	s29 =	simm.s32 $0x9;
	_ =	strace $0x8000004B  }
0xb4: {  	_ =	swait.ge [sflag:s29], $0x1  }
0xb5: {  	[sflag:s29] =	ssyncadd.s32 $0xFFFFFFFF  }
0xb6: {  	_ =	strace $0x9000004B  }
0xb7: {  	_ =	sfence  }
0xb8: {  	s30 =	sld [smem:$0x0];
	_ =	sdelay $0x2  }
0xb9: {  	s31 =	sshll.u32 s1, $0xD;
	s1 =	sshrl.u32 s1, $0x2  }
0xba: {  	s3 =	sand.u32 $0x4000, s31;
	s1 =	sadd.s32 s1, s30  }
0xbb: {  	s0 =	sor.u32 s3, s0;
	s1 =	sshll.u32 s1, $0x11  }
0xbc: {  	s0 =	sor.u32 s1, s0  }
0xbd: {  	s0 =	sadd.s32 $0x8F2B, s0  }
0xbe: {  	[sflag:s0] =	ssyncadd.remote.s32 $0x1  }
0xbf: {  	_ =	sfence.sel $0xFFFF  }
0xc0: {  	[dreg:$0x0] =	wrdreg $0xFFFFFFFF;
	(pc) =	sbr.abs _section_cstart, $3  }
0xc1: {  	[dreg:$0x1] =	wrdreg $0xFFFFFFFF  }
0xc2: {  	_ =	task.clear_ibuf [dreg:s6], $0x2FFFF;
	_ =	strace $0x9FFFFFFF  }
0xc3: {  	(tm) =	ssettm $0x7FFFFFFF  }
tec
execute0_lowered:
.L_overlay_start_1:
0x0: {  	(tag) =	ssettag $0x1  }
0x1: {  	s0 =	rddreg [dreg:$0x0]  }
0x2: {  	s1 =	rddreg [dreg:$0x1]  }
0x3: {  	s14 =	rddreg [dreg:$0x2]  }
0x4: {  	s2 =	stileid.u32;
	s5 =	simm.s32 $0x0;
	s4 =	srdreg.scid  }
0x5: {  	s15 =	simm.s32 $0x8CB8;
	s16 =	simm.s32 $0x2;
	s20 =	simm.s32 $0x7E8  }
0x6: {  	s21 =	simm.s32 $0x400;
	s28 =	simm.s32 $0x180;
	s29 =	simm.s32 $0x36C8  }
0x7: {  	s30 =	simm.s32 $0x200;
	s31 =	simm.s32 $0x4668;
	s17 =	simm.s32 $0x0  }
0x8: {  	s3 =	smul.u32 $0x4E20, s2;
	[smem:$0x7FF] =	sst s5;
	s8 =	sand.u32 $0x1, s4  }
0x9: {  	s9 =	smul.u32 $0x9C4, s2;
	s4 =	sadd.s32 $0x3DD800, s0;
	s5 =	sadd.s32 $0xC400, s0  }
0xa: {  	s6 =	sadd.s32 $0x20000, s0;
	s7 =	sadd.s32 $0x2600, s0;
	s23 =	sadd.s32 $0x33E00, s0  }
0xb: {  	p0 =	sne.s32 s2, $0x0;
	_ =	strace $0x8000004A;
	s10 =	smul.u32 $0x9C40, s8  }
0xc: {  	[dreg:$0x4] =	wrdreg s23;
	s24 =	sshll.u32 s8, $0xC;
	s25 =	ssub.s32 $0x2, s8  }
0xd: {  	s8 =	sshll.u32 s8, $0x4;
	s23 =	sshrl.u32 @!p0 s14, $0x3;
	s14 =	simm.s32 $0x1  }
0xe: {  	[dreg:$0xc] =	wrdreg s17;
	s11 =	sshrl.u32 s3, $0x3;
	s26 =	sshrl.u32 s25, $0x1  }
0xf: {  	s8 =	sor.u32 s2, s8;
	s3 =	sadd.s32 s3, s1;
	[dreg:$0xb] =	wrdreg s23  }
0x10: {  	s9 =	sadd.s32 s9, s10;
	s22 =	sadd.s32 s11, s0;
	s13 =	ssub.s32 s25, s26  }
0x11: {  	s11 =	smul.u32 $0x2800, s8;
	s19 =	sshrl.u32 s3, $0x3;
	s25 =	simm.s32 $0x100  }
0x12: {  	s26 =	simm.s32 $0x2728;
	s3 =	simm.s32 $0x300;
	s12 =	sadd.s32 s9, s0  }
0x13: {  	s0 =	sadd.s32 s24, s0;
	s10 =	sadd.s32 $0x2A000, s22;
	[dreg:$0xa] =	wrdreg s19  }
0x14: {  	s9 =	smul.u32 $0x2710, s8;
	[dreg:$0x5] =	wrdreg s10;
	s10 =	sadd.s32 $0x36E00, s12  }
0x15: {  	s22 =	simm.s32 $0x7D;
	s0 =	sadd.s32 $0x34E00, s0;
	[dreg:$0x6] =	wrdreg s10  }
0x16: {  	s24 =	simm.s32 $0x1788;
	s12 =	smax.u32 s13, $0x1;
	[dreg:$0x7] =	wrdreg s0  }
0x17: {  	s13 =	sshll.u32 s2, $0x6;
	s2 =	simm.s32 $0x5608;
	[dreg:$0x8] =	wrdreg s12  }
0x18: {  	v0 =	vlaneseq.u32;
	s18 =	sor.u32 $0x1C02, s13;
	s0 =	simm.s32 $0x280;
	s10 =	simm.s32 $0x65A8  }
0x19: {  	v1 =	vshrl.u32 v0, $0x1;
	v2 =	vand.u32 $0x1, v0;
	s12 =	simm.s32 $0x380;
	s13 =	simm.s32 $0x7548;
	[dreg:$0x9] =	wrdreg s18  }
.LBB2_1:
0x1a: {  	[tilespmem:$0x10CB8] =	vst v0;
	s8 =	simm.s32 $0x0;
	s17 =	rddreg [dreg:$0x4]  }
0x1b: {  	[tilespmem:s15], [sflag:$0x2] =	stream.linear.gather [hbm4b:s17+s8], $0x8000, $0x38;
	[tilespmem:$0x162E8] =	vst v63  }
0x1c: {  	_ =	swait.ge [sflag:s16], $0x8000  }
0x1d: {  	[sflag:s16] =	ssyncset.done $0x0  }
0x1e: {  	s8 =	rddreg [dreg:$0x5];
	[sflag:s16] =	ssyncadd.s32 $0xFFFF8000  }
0x1f: {  	[spmem:s19], [sflag:s18] =	dma.local [hbm:s8], $0x9C4  }
0x20: {  	_ =	swait.ge [sflag:s16], $0x9C4  }
0x21: {  	[sflag:s16] =	ssyncset.done $0x0  }
0x22: {  	[sflag:s16] =	ssyncadd.s32 $0xFFFFF63C  }
0x23: {  	[spmem:s23], [sflag:s18] =	dma.local @!p0 [hbm:s17], $0x1000  }
0x24: {  	s17 =	simm.s32 @!p0 $0x2  }
0x25: {  	_ =	swait.ge @!p0 [sflag:s17], $0x1000  }
0x26: {  	[sflag:s17] =	ssyncset.done @!p0 $0x0  }
0x27: {  	[sflag:s17] =	ssyncadd.s32 @!p0 $0xFFFFF000  }
0x28: {  	s18 =	simm.s32 $0x0;
	s23 =	simm.s32 $0x80;
	[bflag:$0x0] =	sbarrier.arrive $0xFFFF  }
.LBB2_2:
0x29: {  	s17 =	smul.u32 $0x3E8, s18;
	_ =	sdelay $0x1  }
0x2a: {  	s17 =	sadd.s32 s9, s17  }
0x2b: {  	s19 =	sshll.u32 s17, $0x2  }
0x2c: {  	s8 =	simm.s32 $0x0;
	s19 =	sadd.s32 s4, s19  }
0x2d: {  	[tilespmem:s20], [sflag:$0x2] =	stream.linear.gather [hbm4b:s19+s8], $0x7D00, $0x38;
	[tilespmem:$0x162E8] =	vst v63  }
0x2e: {  	s19 =	sshll.u32 s18, $0xA  }
0x2f: {  	_ =	swait.ge [sflag:s16], $0x7D00;
	s19 =	sadd.s32 s11, s19  }
0x30: {  	[sflag:s16] =	ssyncset.done $0x0;
	s19 =	sshrl.u32 s19, $0x3  }
0x31: {  	[sflag:s16] =	ssyncadd.s32 $0xFFFF8300;
	s19 =	sadd.s32 s6, s19  }
0x32: {  	[tilespmem:s8], [sflag:$0x2] =	stream.linear.gather [hbm4b:s19+s8], $0x400, $0x38;
	[tilespmem:$0x162E8] =	vst v63  }
0x33: {  	_ =	swait.ge [sflag:s16], $0x400  }
0x34: {  	s19 =	sshrl.u32 s17, $0x3;
	[sflag:s16] =	ssyncset.done $0x0  }
0x35: {  	s19 =	sadd.s32 s7, s19;
	[sflag:s16] =	ssyncadd.s32 $0xFFFFFC00  }
0x36: {  	[tilespmem:s21], [sflag:$0x2] =	stream.linear.gather [hbm4b:s19+s8], $0x3E8, $0x38;
	[tilespmem:$0x162E8] =	vst v63  }
0x37: {  	_ =	swait.ge [sflag:s16], $0x3E8  }
0x38: {  	s17 =	sshrl.u32 s17, $0x2;
	[sflag:s16] =	ssyncset.done $0x0  }
0x39: {  	s17 =	sadd.s32 s5, s17;
	s19 =	simm.s32 $0x84E8;
	[sflag:s16] =	ssyncadd.s32 $0xFFFFFC18  }
0x3a: {  	[tilespmem:s19], [sflag:$0x2] =	stream.linear.gather [hbm4b:s17+s8], $0x7D0, $0x38;
	[tilespmem:$0x162E8] =	vst v63  }
0x3b: {  	_ =	swait.ge [sflag:s16], $0x7D0  }
0x3c: {  	[sflag:s16] =	ssyncset.done $0x0  }
0x3d: {  	[sflag:s16] =	ssyncadd.s32 $0xFFFFF830  }
0x3e: {  	[spmem:s1] =	stream.indirect.scatter.add.f32 [tilespmem:s20], [sflag:$0x1], $0x20, s8, s22, $0xb8;
	[tilespmem:$0x162E8] =	vst v63  }
0x3f: {  	_ = 	snop  }
0x40: {  	[spmem:s1] =	stream.indirect.scatter.add.f32 [tilespmem:s24], [sflag:$0x1], $0x20, s23, s22, $0xb8;
	[tilespmem:$0x162E8] =	vst v63  }
0x41: {  	_ = 	snop  }
0x42: {  	[spmem:s1] =	stream.indirect.scatter.add.f32 [tilespmem:s26], [sflag:$0x1], $0x20, s25, s22, $0xb8;
	[tilespmem:$0x162E8] =	vst v63  }
0x43: {  	v3 =	vmov s8  }
0x44: {  	v3 =	vshrl.u32 v3, $0x3;
	[spmem:s1] =	stream.indirect.scatter.add.f32 [tilespmem:s29], [sflag:$0x1], $0x20, s28, s22, $0xb8;
	[tilespmem:$0x162E8] =	vst v63  }
0x45: {  	v3 =	vshll.u32 v3, $0x3  }
0x46: {  	v3 =	vbroadcast v3, $0x0;
	[spmem:s1] =	stream.indirect.scatter.add.f32 [tilespmem:s31], [sflag:$0x1], $0x20, s30, s22, $0xb8;
	[tilespmem:$0x162E8] =	vst v63  }
0x47: {  	_ = 	snop  }
0x48: {  	v3 =	vor.u32 v1, v3;
	[spmem:s1] =	stream.indirect.scatter.add.f32 [tilespmem:s2], [sflag:$0x1], $0x20, s0, s22, $0xb8;
	[tilespmem:$0x162E8] =	vst v63  }
0x49: {  	_ = 	snop  }
0x4a: {  	[spmem:s1] =	stream.indirect.scatter.add.f32 [tilespmem:s10], [sflag:$0x1], $0x20, s3, s22, $0xb8;
	[tilespmem:$0x162E8] =	vst v63  }
0x4b: {  	_ = 	snop  }
0x4c: {  	[spmem:s1] =	stream.indirect.scatter.add.f32 [tilespmem:s13], [sflag:$0x1], $0x20, s12, s22, $0xb8;
	[tilespmem:$0x162E8] =	vst v63  }
0x4d: {  	v3 =	vld.idx.msk [tilespmem:v3+s21+$0x0], $0xffff  }
0x4e: {  	s17 =	simm.s32 $0x8  }
0x4f: {  	v4 =	vmov s17  }
0x50: {  	v4 =	vshrl.u32 v4, $0x3  }
0x51: {  	v4 =	vshll.u32 v4, $0x3  }
0x52: {  	v4 =	vbroadcast v4, $0x0;
	v3 =	vshll.u32 v3, $0x1  }
0x53: {  	v5 =	vld [tilespmem:s19+$0x0];
	v3 =	vor.u32 v2, v3  }
0x54: {  	v4 =	vor.u32 v1, v4;
	_ =	sdelay $0x3  }
0x55: {  	[tilespmem:v3+s15+$0x0] =	vst.idx.add.f32.msk $0xffff, v5  }
0x56: {  	v3 =	vld.idx.msk [tilespmem:v4+s21+$0x0], $0xffff  }
0x57: {  	s17 =	simm.s32 $0x10  }
0x58: {  	v4 =	vmov s17;
	s17 =	simm.s32 $0x18  }
.LBB2_3:
0x59: {  	p1 =	sne.s32 s17, $0x3E0;
	v4 =	vshrl.u32 v4, $0x3  }
0x5a: {  	v4 =	vshll.u32 v4, $0x3  }
0x5b: {  	s19 =	sadd.s32 $0x10, s19;
	v3 =	vshll.u32 v3, $0x1;
	v4 =	vbroadcast v4, $0x0  }
0x5c: {  	v3 =	vor.u32 v2, v3;
	v5 =	vld [tilespmem:s19+$0x0]  }
0x5d: {  	v4 =	vor.u32 v1, v4;
	_ =	sdelay $0x3  }
.Ltmp0:
0x5e: {  	[tilespmem:v3+s15+$0x0] =	vst.idx.add.f32.msk $0xffff, v5;
	(pc) =	sbr.rel @p1 .LBB2_3-.Ltmp0, $2  }
0x5f: {  	v3 =	vld.idx.msk [tilespmem:v4+s21+$0x0], $0xffff;
	_ =	sdelay $0x2  }
0x60: {  	v4 =	vmov s17;
	s17 =	sadd.s32 $0x8, s17  }
0x61: {  	v4 =	vshrl.u32 v4, $0x3  }
0x62: {  	v4 =	vshll.u32 v4, $0x3  }
0x63: {  	s8 =	sadd.s32 $0x10, s19;
	v3 =	vshll.u32 v3, $0x1;
	v4 =	vbroadcast v4, $0x0  }
0x64: {  	v5 =	vld [tilespmem:s8+$0x0];
	v3 =	vor.u32 v2, v3  }
0x65: {  	v4 =	vor.u32 v1, v4;
	_ =	sdelay $0x3  }
0x66: {  	[tilespmem:v3+s15+$0x0] =	vst.idx.add.f32.msk $0xffff, v5  }
0x67: {  	v3 =	vld.idx.msk [tilespmem:v4+s21+$0x0], $0xffff;
	_ =	sdelay $0x4  }
0x68: {  	s8 =	sadd.s32 $0x10, s8;
	v3 =	vshll.u32 v3, $0x1  }
0x69: {  	v63 =	vld [tilespmem:s8+$0x0];
	v3 =	vor.u32 v2, v3;
	_ =	sdelay $0x4  }
0x6a: {  	[tilespmem:v3+s15+$0x0] =	vst.idx.add.f32.msk $0xffff, v63  }
0x6b: {  	_ =	swait.ge [sflag:s14], $0xFA0  }
0x6c: {  	[sflag:s14] =	ssyncset.done $0x0  }
0x6d: {  	[sflag:s14] =	ssyncadd.s32 $0xFFFFF060  }
0x6e: {  	_ =	swait.ge [sflag:s14], $0xFA0  }
0x6f: {  	[sflag:s14] =	ssyncset.done $0x0  }
0x70: {  	[sflag:s14] =	ssyncadd.s32 $0xFFFFF060  }
0x71: {  	_ =	swait.ge [sflag:s14], $0xFA0  }
0x72: {  	[sflag:s14] =	ssyncset.done $0x0  }
0x73: {  	[sflag:s14] =	ssyncadd.s32 $0xFFFFF060  }
0x74: {  	_ =	swait.ge [sflag:s14], $0xFA0  }
0x75: {  	[sflag:s14] =	ssyncset.done $0x0  }
0x76: {  	[sflag:s14] =	ssyncadd.s32 $0xFFFFF060  }
0x77: {  	_ =	swait.ge [sflag:s14], $0xFA0  }
0x78: {  	[sflag:s14] =	ssyncset.done $0x0  }
0x79: {  	[sflag:s14] =	ssyncadd.s32 $0xFFFFF060  }
0x7a: {  	_ =	swait.ge [sflag:s14], $0xFA0  }
0x7b: {  	[sflag:s14] =	ssyncset.done $0x0  }
0x7c: {  	s18 =	sadd.s32 $0x1, s18;
	[sflag:s14] =	ssyncadd.s32 $0xFFFFF060  }
0x7d: {  	p1 =	sne.s32 s18, $0xA;
	_ =	swait.ge [sflag:s14], $0xFA0  }
.Ltmp1:
0x7e: {  	[sflag:s14] =	ssyncset.done $0x0;
	(pc) =	sbr.rel @p1 .LBB2_2-.Ltmp1, $4  }
0x7f: {  	[sflag:s14] =	ssyncadd.s32 $0xFFFFF060  }
0x80: {  	_ =	swait.ge [sflag:s14], $0xFA0  }
0x81: {  	[sflag:s14] =	ssyncset.done $0x0  }
0x82: {  	[sflag:s14] =	ssyncadd.s32 $0xFFFFF060  }
0x83: {  	s8 =	rddreg [dreg:$0x2];
	s17 =	simm.s32 $0x10;
	s18 =	simm.s32 $0x10CB8  }
0x84: {  	[spmem:s8] =	stream.indirect.scatter.add.f32 [tilespmem:s15], [sflag:$0x2], $0x800, s18, s17, $0xb8;
	[tilespmem:$0x162E8] =	vst v63  }
0x85: {  	_ =	swait.ge [sflag:s16], $0x8000  }
0x86: {  	[sflag:s16] =	ssyncset.done $0x0  }
0x87: {  	[sflag:s16] =	ssyncadd.s32 $0xFFFF8000  }
0x88: {  	[bflag:$0x0] =	sbarrier.arrive $0xFFFF  }
0x89: {  	s24 =	rddreg [dreg:$0x6]  }
0x8a: {  	s18 =	rddreg [dreg:$0x9]  }
0x8b: {  	s19 =	rddreg [dreg:$0xa]  }
0x8c: {  	[hbm:s24], [sflag:s18] =	dma.local [spmem:s19], $0x9C4  }
0x8d: {  	_ =	swait.ge [sflag:s16], $0x9C4  }
0x8e: {  	[sflag:s16] =	ssyncset.done $0x0;
	s8 =	rddreg [dreg:$0x7]  }
0x8f: {  	s23 =	rddreg [dreg:$0xb];
	[sflag:s16] =	ssyncadd.s32 $0xFFFFF63C  }
0x90: {  	[hbm:s8], [sflag:s18] =	dma.local @!p0 [spmem:s23], $0x1000  }
0x91: {  	s8 =	simm.s32 @!p0 $0x2  }
0x92: {  	_ =	swait.ge @!p0 [sflag:s8], $0x1000  }
0x93: {  	s24 =	rddreg [dreg:$0xc]  }
0x94: {  	s17 =	rddreg [dreg:$0x8];
	s24 =	sadd.s32 $0x1, s24  }
0x95: {  	p1 =	sne.s32 s24, s17  }
.Ltmp2:
0x96: {  	_ = 	snop;
	(pc) =	sbr.rel @p1 .LBB2_1-.Ltmp2, $3  }
0x97: {  	_ =	sdelay $0x1  }
0x98: {  	[sflag:s8] =	ssyncset.done @!p0 $0x0  }
0x99: {  	[sflag:s8] =	ssyncadd.s32 @!p0 $0xFFFFF000;
	[dreg:$0xc] =	wrdreg s24;
	s24 =	simm.s32 $0x1788  }
0x9a: {  	_ =	sfence.sel $0x180000  }
0x9b: {  	[bflag:$0x0] =	sbarrier.arrive $0xFFFF  }
0x9c: {  	_ =	strace $0x9000004A  }
0x9d: {  	[bflag:$0x2] =	sbarrier.arrive $0xFFFF  }
0x9e: {  	s0 =	rddreg [dreg:$0x3]  }
0x9f: {  	s0 =	sadd.s32 @!p0 $0x100000, s0  }
0xa0: {  	[sflag:s0] =	ssyncadd.tile.s32 @!p0 $0x1;
	_ =	shalt  }
.Lfunc_end2:
_tile_overlayer_lowered:
.L_overlay_start_2:
0xa1: {  	(tag) =	ssettag $0x2  }
0xa2: {  	s0 =	rddreg [dreg:$0x0];
	s2 =	stileid.u32  }
0xa3: {  	s1 =	rddreg [dreg:$0x1];
	p0 =	sne.s32 s2, $0x0  }
0xa4: {  	s3 =	rddreg [dreg:$0x2];
	[bflag:$0x3] =	sbarrier.arrive $0xFFFF;
	s2 =	simm.s32 @!p0 $0x1C02  }
0xa5: {  	[timem:s3], [sflag:s2] =	dma.local @!p0 [hbm:s0], s1  }
0xa6: {  	s0 =	simm.s32 @!p0 $0x2  }
0xa7: {  	_ =	swait.ge @!p0 [sflag:s0], s1  }
0xa8: {  	s1 =	ssub.s32 @!p0 $0x0, s1;
	[sflag:s0] =	ssyncset.done @!p0 $0x0  }
0xa9: {  	[sflag:s0] =	ssyncadd.s32 @!p0 s1  }
0xaa: {  	[bflag:$0x3] =	sbarrier.arrive $0xFFFF  }
0xab: {  	_ =	shalt  }

// kernel: kernel.7.cloned.1.call-start
scs
__scs_entry_jumppad:
0x0: {  	(pc) =	sbr.rel $0x88, $3  }
0x1: {  	(tag) =	ssettag $0x0;
	lr =	simm.s32 $0x1  }
0x2: {  	[smem:$0x3F95] =	sst lr;
	_ =	strace $0xD0000000  }
0x3: {  	_ = 	snop  }
0x4: {  	_ = 	snop  }
0x5: {  	_ = 	snop  }
0x6: {  	_ = 	snop  }
0x7: {  	_ = 	snop  }
__scs_overlays_trampoline_lowered:
0x8: {  	[smem:$0x3FA4] =	sst s0  }
0x9: {  	[smem:$0x3FA5] =	sst s1  }
0xa: {  	[smem:$0x3FA6] =	sst s2  }
0xb: {  	[smem:$0x3FA7] =	sst s3  }
0xc: {  	[smem:$0x3FA8] =	sst s4  }
0xd: {  	[smem:$0x3FA9] =	sst s5  }
0xe: {  	[smem:$0x3FAA] =	sst s6  }
0xf: {  	[smem:$0x3FAB] =	sst s7  }
0x10: {  	[smem:$0x3FAC] =	sst s8  }
0x11: {  	[smem:$0x3FAD] =	sst s9;
	s0 =	simm.s32 @!p0 $0x0  }
0x12: {  	s1 =	sld [smem:$0x3F93];
	s0 =	simm.s32 @p0 $0x1  }
0x13: {  	[smem:$0x3FAE] =	sst s0;
	s0 =	simm.s32 @!p1 $0x0  }
0x14: {  	s2 =	sld [smem:$0x3F92];
	s0 =	simm.s32 @p1 $0x1  }
0x15: {  	[smem:$0x3FAF] =	sst s0;
	s0 =	simm.s32 @!p2 $0x0  }
0x16: {  	s3 =	sld [smem:$0x3FDB];
	s0 =	simm.s32 @p2 $0x1  }
0x17: {  	s4 =	simm.s32 $0x1BF5;
	[smem:$0x3FB1] =	sst s0  }
0x18: {  	s0 =	sld [smem:$0x3F94];
	_ =	swait.ge [sflag:s4], $0x0  }
0x19: {  	s7 =	sld [smem:$0x3F95]  }
0x1a: {  	s8 =	sadd.s32 $0xFFFFE003, lr  }
0x1b: {  	s9 =	sadd.s32 $0xFFFFFEF7, lr;
	s5 =	simm.s32 $0xFFFFFFFF;
	p2 =	slt.u32 s8, $0xFFFFF086  }
0x1c: {  	p1 =	slt.u32 s9, $0xF7A;
	s5 =	simm.s32 @!p2 $0x0  }
0x1d: {  	s5 =	simm.s32 @p1 $0x1;
	p0 =	seq.s32 s7, s2  }
0x1e: {  	s7 =	smul.u32 @!p0 $0xF7A, s2;
	p2 =	seq.s32 @!p0 s5, $0x0  }
0x1f: {  	s9 =	smul.u32 $0xF7A, s1;
	s8 =	simm.s32 @!p0 $0x1BF5;
	p2 =	por !p2, p0  }
0x20: {  	[sflag:s8] =	ssyncset.s32 @!p0 $0xFFFFF086;
	s6 =	sadd.s32 @!p0 s3, s7;
	s7 =	simm.s32 @!p0 $0x108  }
0x21: {  	s3 =	sadd.s32 s3, s9;
	s6 =	sadd.s32 @!p0 $0x88, s6;
	s7 =	simm.s32 @p2 $0x1082  }
0x22: {  	[simem:s7], [sflag:s8] =	dma.local @!p0 [hbm:s6], $0xF7A  }
0x23: {  	s9 =	sor.u32 $0xD0000000, s2;
	s6 =	simm.s32 $0x108;
	_ =	swait.ge @!p0 [sflag:s8], $0x0  }
0x24: {  	s3 =	sadd.s32 $0x88, s3;
	s6 =	simm.s32 @!p1 $0x1082;
	[sflag:s4] =	ssyncset.s32 $0xFFFFF086  }
0x25: {  	[simem:s6], [sflag:s4] =	dma.local [hbm:s3], $0xF7A  }
0x26: {  	[smem:$0x3F95] =	sst s1;
	(tag) =	ssettag s2;
	_ =	strace s9  }
0x27: {  	s1 =	sld [smem:$0x3FA5]  }
0x28: {  	s2 =	sld [smem:$0x3FA6]  }
0x29: {  	s4 =	sld [smem:$0x3FA8]  }
0x2a: {  	p0 =	seq.s32 s5, $0x0;
	s5 =	sld [smem:$0x3FA9]  }
0x2b: {  	s6 =	sld [smem:$0x3FAA]  }
0x2c: {  	s7 =	sld [smem:$0x3FAB]  }
0x2d: {  	s3 =	simm.s32 $0x108;
	s8 =	sld [smem:$0x3FAC]  }
0x2e: {  	s3 =	simm.s32 @!p0 $0x1082;
	s9 =	sld [smem:$0x3FAD]  }
0x2f: {  	lr =	sadd.s32 s0, s3;
	s0 =	sld [smem:$0x3FA4]  }
0x30: {  	s3 =	sld [smem:$0x3FA7]  }
0x31: {  	[smem:$0x3FB0] =	sst s10  }
0x32: {  	s10 =	sld [smem:$0x3FAE];
	_ =	sdelay $0x3  }
0x33: {  	p0 =	seq.s32 s10, $0x1;
	s10 =	sld [smem:$0x3FB0];
	_ =	sdelay $0x3  }
0x34: {  	[smem:$0x3FB0] =	sst s10  }
0x35: {  	s10 =	sld [smem:$0x3FAF];
	_ =	sdelay $0x3  }
0x36: {  	p1 =	seq.s32 s10, $0x1;
	s10 =	sld [smem:$0x3FB0];
	_ =	sdelay $0x3  }
0x37: {  	[smem:$0x3FB0] =	sst s10  }
0x38: {  	s10 =	sld [smem:$0x3FB1]  }
0x39: {  	_ = 	snop;
	(pc) =	sbr.ind lr, $3  }
0x3a: {  	_ = 	snop  }
0x3b: {  	_ = 	snop  }
0x3c: {  	p2 =	seq.s32 s10, $0x1;
	s10 =	sld [smem:$0x3FB0]  }
0x3d: {  	_ =	shalt  }
0x3e: {  	_ =	shalt  }
0x3f: {  	_ =	shalt  }
0x40: {  	_ =	shalt  }
0x41: {  	_ =	shalt  }
0x42: {  	_ =	shalt  }
0x43: {  	_ =	shalt  }
0x44: {  	_ =	shalt  }
0x45: {  	_ =	shalt  }
0x46: {  	_ =	shalt  }
0x47: {  	_ =	shalt  }
0x48: {  	_ =	shalt  }
0x49: {  	_ =	shalt  }
0x4a: {  	_ =	shalt  }
0x4b: {  	_ =	shalt  }
0x4c: {  	_ =	shalt  }
0x4d: {  	_ =	shalt  }
0x4e: {  	_ =	shalt  }
0x4f: {  	_ =	shalt  }
0x50: {  	_ =	shalt  }
0x51: {  	_ =	shalt  }
0x52: {  	_ =	shalt  }
0x53: {  	_ =	shalt  }
0x54: {  	_ =	shalt  }
0x55: {  	_ =	shalt  }
0x56: {  	_ =	shalt  }
0x57: {  	_ =	shalt  }
0x58: {  	_ =	shalt  }
0x59: {  	_ =	shalt  }
0x5a: {  	_ =	shalt  }
0x5b: {  	_ =	shalt  }
0x5c: {  	_ =	shalt  }
0x5d: {  	_ =	shalt  }
0x5e: {  	_ =	shalt  }
0x5f: {  	_ =	shalt  }
0x60: {  	_ =	shalt  }
0x61: {  	_ =	shalt  }
0x62: {  	_ =	shalt  }
0x63: {  	_ =	shalt  }
0x64: {  	_ =	shalt  }
0x65: {  	_ =	shalt  }
0x66: {  	_ =	shalt  }
0x67: {  	_ =	shalt  }
0x68: {  	_ =	shalt  }
0x69: {  	_ =	shalt  }
0x6a: {  	_ =	shalt  }
0x6b: {  	_ =	shalt  }
0x6c: {  	_ =	shalt  }
0x6d: {  	_ =	shalt  }
0x6e: {  	_ =	shalt  }
0x6f: {  	_ =	shalt  }
0x70: {  	_ =	shalt  }
0x71: {  	_ =	shalt  }
0x72: {  	_ =	shalt  }
0x73: {  	_ =	shalt  }
0x74: {  	_ =	shalt  }
0x75: {  	_ =	shalt  }
0x76: {  	_ =	shalt  }
0x77: {  	_ =	shalt  }
0x78: {  	_ =	shalt  }
0x79: {  	_ =	shalt  }
0x7a: {  	_ =	shalt  }
0x7b: {  	_ =	shalt  }
0x7c: {  	_ =	shalt  }
0x7d: {  	_ =	shalt  }
0x7e: {  	_ =	shalt  }
0x7f: {  	_ =	shalt  }
0x80: {  	_ =	shalt  }
0x81: {  	_ =	shalt  }
0x82: {  	_ =	shalt  }
0x83: {  	_ =	shalt  }
0x84: {  	_ =	shalt  }
0x85: {  	_ =	shalt  }
0x86: {  	_ =	shalt  }
0x87: {  	_ =	shalt  }
.Lfunc_end0:
.L_simem_size_0:
called_computation_lowered:
.L_overlay_start_0:
0x88: {  	s2 =	sld [smem:$0x3FD9]  }
0x89: {  	s3 =	sld [smem:$0x3FFE];
	_ =	sdelay $0x1  }
0x8a: {  	s1 =	srdreg.scid  }
0x8b: {  	s0 =	sand.u32 $0x1, s1  }
0x8c: {  	s16 =	sshll.u32 s0, $0xA;
	s2 =	sadd.s32 s3, s2  }
0x8d: {  	s2 =	sadd.s32 s2, s16  }
0x8e: {  	[smem:$0x3FBC] =	sst s2  }
0x8f: {  	_ = 	snop  }
0x90: {  	(tm) =	ssettm $0x1  }
0x91: {  	s17 =	sld [smem:$0x3FFB];
	_ =	sdelay $0x3  }
0x92: {  	_ =	strace s17  }
0x93: {  	s2 =	sld [smem:$0x3FFC];
	_ =	sdelay $0x3  }
0x94: {  	_ =	strace s2  }
0x95: {  	s2 =	sld [smem:$0x3FFD];
	_ =	sdelay $0x3  }
0x96: {  	_ =	strace s2  }
0x97: {  	_ =	strace $0x8FFFFFFF  }
0x98: {  	s18 =	sld [smem:$0x3FDB];
	_ =	sdelay $0x1  }
0x99: {  	s19 =	simm.s32 $_scs_section_size  }
0x9a: {  	s4 =	simm.s32 $_size__tile_overlayer_lowered;
	s5 =	simm.s32 $_tile_overlayer_lowered  }
0x9b: {  	s22 =	simm.s32 $0x1BFF;
	s21 =	sshll.u32 s5, $0x1;
	s2 =	sadd.s32 s19, s18  }
0x9c: {  	s6 =	simm.s32 $0x0;
	s20 =	sshll.u32 s4, $0x1;
	s4 =	sadd.s32 s21, s2  }
0x9d: {  	[timem:s6], [sflag:s22] =	dma.local [hbm:s4], s20  }
0x9e: {  	_ =	swait.ge [sflag:s22], s20  }
0x9f: {  	s3 =	ssub.s32 $0x0, s20;
	[sflag:s22] =	ssyncset.done $0x0  }
0xa0: {  	[sflag:s22] =	ssyncadd.s32 s3;
	_ =	sdelay $0x1  }
0xa1: {  	s23 =	simm.s32 $0x1B8B  }
0xa2: {  	_ =	swait.ge [sflag:s23], $0x1  }
0xa3: {  	[sflag:s23] =	ssyncset.done $0x0  }
0xa4: {  	s25 =	simm.s32 $0x1B8E;
	s24 =	sld [smem:$0x3FFE];
	[sflag:s23] =	ssyncadd.s32 $0xFFFFFFFF  }
0xa5: {  	s26 =	simm.s32 $execute0_lowered;
	[smem:$0x3FD2] =	sst s25  }
0xa6: {  	s4 =	sshll.u32 s26, $0x1;
	_ =	strace $0x80000046;
	[dreg:$0x1] =	wrdreg $0xFFFFFFFF  }
0xa7: {  	s28 =	simm.s32 $_size_execute0_lowered;
	s2 =	sadd.s32 s2, s4;
	[dreg:$0x0] =	wrdreg $0x0  }
0xa8: {  	s4 =	sshll.u32 s28, $0x1;
	[dreg:$0x2] =	wrdreg s2  }
0xa9: {  	[dreg:$0x3] =	wrdreg s4  }
0xaa: {  	[dreg:$0x4] =	wrdreg $0xC0  }
0xab: {  	_ =	task [dreg:s6], $0x5FFFF  }
0xac: {  	[dreg:$0x1] =	wrdreg $0xFFFFFFFF  }
0xad: {  	[dreg:$0x0] =	wrdreg $0x60  }
0xae: {  	[dreg:$0x2] =	wrdreg s24  }
0xaf: {  	[dreg:$0x3] =	wrdreg $0x9  }
0xb0: {  	_ =	task.clear_ibuf [dreg:s6], $0x4FFFF;
	_ =	strace $0x90000046  }
0xb1: {  	s29 =	simm.s32 $0x9;
	_ =	strace $0x80000048  }
0xb2: {  	_ =	swait.ge [sflag:s29], $0x1  }
0xb3: {  	[sflag:s29] =	ssyncadd.s32 $0xFFFFFFFF  }
0xb4: {  	_ =	strace $0x90000048  }
0xb5: {  	_ =	sfence  }
0xb6: {  	s30 =	sld [smem:$0x0];
	_ =	sdelay $0x2  }
0xb7: {  	s31 =	sshll.u32 s1, $0xD;
	s1 =	sshrl.u32 s1, $0x2  }
0xb8: {  	s3 =	sand.u32 $0x4000, s31;
	s1 =	sadd.s32 s1, s30  }
0xb9: {  	s0 =	sor.u32 s3, s0;
	s1 =	sshll.u32 s1, $0x11  }
0xba: {  	s0 =	sor.u32 s1, s0  }
0xbb: {  	s0 =	sadd.s32 $0x8F2B, s0  }
0xbc: {  	[sflag:s0] =	ssyncadd.remote.s32 $0x1  }
0xbd: {  	_ =	sfence.sel $0xFFFF  }
0xbe: {  	[dreg:$0x0] =	wrdreg $0xFFFFFFFF;
	(pc) =	sbr.abs _section_cstart, $3  }
0xbf: {  	[dreg:$0x1] =	wrdreg $0xFFFFFFFF  }
0xc0: {  	_ =	task.clear_ibuf [dreg:s6], $0x2FFFF;
	_ =	strace $0x9FFFFFFF  }
0xc1: {  	(tm) =	ssettm $0x7FFFFFFF  }
tec
execute0_lowered:
.L_overlay_start_1:
0x0: {  	(tag) =	ssettag $0x1  }
0x1: {  	s0 =	srdreg.scid;
	s7 =	stileid.u32  }
0x2: {  	s5 =	rddreg [dreg:$0x0];
	s0 =	sand.u32 $0x1, s0;
	s2 =	smul.u32 $0x2800, s7  }
0x3: {  	s12 =	simm.s32 $0x80;
	s13 =	simm.s32 $0x17A0;
	s1 =	smul.u32 $0x28000, s0  }
0x4: {  	s14 =	simm.s32 $0x480;
	s16 =	simm.s32 $0x94A0;
	s17 =	simm.s32 $0x100  }
0x5: {  	s18 =	simm.s32 $0x2740;
	s1 =	sadd.s32 s2, s1;
	s2 =	simm.s32 $0x0  }
0x6: {  	s19 =	simm.s32 $0x500;
	s21 =	simm.s32 $0xA440;
	[smem:$0x7FF] =	sst s2  }
0x7: {  	s23 =	simm.s32 $0x180;
	_ =	strace $0x80000047;
	[dreg:$0x4] =	wrdreg s12  }
0x8: {  	s6 =	smul.u32 $0x9C400, s0;
	s0 =	ssub.s32 $0x2, s0;
	[dreg:$0x5] =	wrdreg s13  }
0x9: {  	s25 =	simm.s32 $0x36E0;
	s15 =	sshrl.u32 s0, $0x1;
	[dreg:$0x6] =	wrdreg s14  }
0xa: {  	s8 =	simm.s32 $0x2;
	s0 =	ssub.s32 s0, s15;
	[dreg:$0x7] =	wrdreg s16  }
0xb: {  	s26 =	simm.s32 $0x580;
	s0 =	smax.u32 s0, $0x1;
	[dreg:$0x8] =	wrdreg s17  }
0xc: {  	s9 =	simm.s32 $0x400;
	s29 =	simm.s32 $0xB3E0;
	[dreg:$0x12] =	wrdreg s0  }
0xd: {  	s10 =	simm.s32 $0x7D;
	s30 =	simm.s32 $0x200;
	[dreg:$0x9] =	wrdreg s18  }
0xe: {  	s11 =	simm.s32 $0x800;
	s31 =	simm.s32 $0x4680;
	[dreg:$0xa] =	wrdreg s19  }
0xf: {  	s28 =	simm.s32 $0x1;
	s3 =	sadd.s32 $0x16200, s5;
	[dreg:$0xb] =	wrdreg s21  }
0x10: {  	s7 =	smul.u32 $0x9C40, s7;
	s6 =	sadd.s32 s6, s5;
	[dreg:$0xc] =	wrdreg s23  }
0x11: {  	s15 =	simm.s32 $0x680;
	s1 =	sshrl.u32 s1, $0x3;
	[dreg:$0xd] =	wrdreg s25  }
0x12: {  	s20 =	sadd.s32 s7, s6;
	s6 =	simm.s32 $0x0;
	[dreg:$0xe] =	wrdreg s26  }
0x13: {  	s1 =	sadd.s32 s1, s5;
	s22 =	sadd.s32 $0x16C800, s20;
	[dreg:$0xf] =	wrdreg s29  }
0x14: {  	s24 =	sadd.s32 $0x34000, s20;
	[dreg:$0x10] =	wrdreg s30;
	s12 =	simm.s32 $0x8500  }
0x15: {  	[dreg:$0x11] =	wrdreg s31;
	s13 =	simm.s32 $0x280;
	s14 =	simm.s32 $0x5620  }
0x16: {  	s18 =	simm.s32 $0xD320;
	s19 =	simm.s32 $0x300;
	s20 =	simm.s32 $0x65C0  }
0x17: {  	s21 =	simm.s32 $0x700;
	s23 =	simm.s32 $0x380;
	s25 =	simm.s32 $0x780  }
0x18: {  	s26 =	simm.s32 $0xF260;
	s4 =	sadd.s32 $0x20000, s1;
	[dreg:$0x13] =	wrdreg s22  }
0x19: {  	s1 =	sadd.s32 $0x2A000, s1;
	[dreg:$0x14] =	wrdreg s24;
	s22 =	simm.s32 $0xE2C0  }
0x1a: {  	s24 =	simm.s32 $0x7560;
	[dreg:$0x2] =	wrdreg s4;
	s4 =	sadd.s32 $0xC400, s5  }
0x1b: {  	[dreg:$0x3] =	wrdreg s1;
	s1 =	simm.s32 $0x600;
	s5 =	simm.s32 $0xC380  }
.LBB2_1:
0x1c: {  	s7 =	rddreg [dreg:$0x3]  }
0x1d: {  	[dreg:$0x15] =	wrdreg s6;
	s6 =	sadd.s32 $0x0, s7  }
0x1e: {  	[tilespmem:s2], [sflag:$0x2] =	stream.linear.gather [hbm4b:s6+s2], $0x400, $0x38;
	[tilespmem:$0x10200] =	vst v63  }
0x1f: {  	_ =	swait.ge [sflag:s8], $0x400  }
0x20: {  	s16 =	rddreg [dreg:$0x2];
	[sflag:s8] =	ssyncset.done $0x0  }
0x21: {  	[sflag:s8] =	ssyncadd.s32 $0xFFFFFC00;
	s6 =	sadd.s32 $0x0, s16  }
0x22: {  	[tilespmem:s9], [sflag:$0x2] =	stream.linear.gather [hbm4b:s6+s2], $0x400, $0x38;
	[tilespmem:$0x10200] =	vst v63  }
0x23: {  	_ =	swait.ge [sflag:s8], $0x400  }
0x24: {  	s17 =	rddreg [dreg:$0x4]  }
0x25: {  	s7 =	rddreg [dreg:$0x5]  }
0x26: {  	s30 =	rddreg [dreg:$0x7]  }
0x27: {  	[sflag:s8] =	ssyncset.done $0x0;
	s31 =	rddreg [dreg:$0x6]  }
0x28: {  	s29 =	rddreg [dreg:$0x9];
	[sflag:s8] =	ssyncadd.s32 $0xFFFFFC00  }
0x29: {  	[tilespmem:s11], [sflag:$0x1] =	stream.indirect.gather [hbm4b:s3+s10], $0x20, s2, s10, $0xb8;
	[tilespmem:$0x10200] =	vst v63  }
0x2a: {  	s0 =	rddreg [dreg:$0x8]  }
0x2b: {  	[tilespmem:s12], [sflag:$0x1] =	stream.indirect.gather [hbm4b:s4+s10], $0x20, s9, s10, $0xb8;
	[tilespmem:$0x10200] =	vst v63  }
0x2c: {  	s16 =	rddreg [dreg:$0xc]  }
0x2d: {  	[tilespmem:s7], [sflag:$0x1] =	stream.indirect.gather [hbm4b:s3+s10], $0x20, s17, s10, $0xb8;
	[tilespmem:$0x10200] =	vst v63  }
0x2e: {  	s7 =	rddreg [dreg:$0xd]  }
0x2f: {  	s17 =	rddreg [dreg:$0x11]  }
0x30: {  	[tilespmem:s30], [sflag:$0x1] =	stream.indirect.gather [hbm4b:s4+s10], $0x20, s31, s10, $0xb8;
	[tilespmem:$0x10200] =	vst v63  }
0x31: {  	s30 =	rddreg [dreg:$0xb]  }
0x32: {  	[tilespmem:s29], [sflag:$0x1] =	stream.indirect.gather [hbm4b:s3+s10], $0x20, s0, s10, $0xb8;
	[tilespmem:$0x10200] =	vst v63  }
0x33: {  	s31 =	rddreg [dreg:$0xa]  }
0x34: {  	[tilespmem:s30], [sflag:$0x1] =	stream.indirect.gather [hbm4b:s4+s10], $0x20, s31, s10, $0xb8;
	[tilespmem:$0x10200] =	vst v63  }
0x35: {  	s30 =	rddreg [dreg:$0xf]  }
0x36: {  	[tilespmem:s7], [sflag:$0x1] =	stream.indirect.gather [hbm4b:s3+s10], $0x20, s16, s10, $0xb8;
	[tilespmem:$0x10200] =	vst v63  }
0x37: {  	s31 =	rddreg [dreg:$0xe]  }
0x38: {  	[tilespmem:s30], [sflag:$0x1] =	stream.indirect.gather [hbm4b:s4+s10], $0x20, s31, s10, $0xb8;
	[tilespmem:$0x10200] =	vst v63  }
0x39: {  	s29 =	rddreg [dreg:$0x10]  }
0x3a: {  	[tilespmem:s17], [sflag:$0x1] =	stream.indirect.gather [hbm4b:s3+s10], $0x20, s29, s10, $0xb8;
	[tilespmem:$0x10200] =	vst v63  }
0x3b: {  	_ = 	snop  }
0x3c: {  	[tilespmem:s5], [sflag:$0x1] =	stream.indirect.gather [hbm4b:s4+s10], $0x20, s1, s10, $0xb8;
	[tilespmem:$0x10200] =	vst v63  }
0x3d: {  	_ = 	snop  }
0x3e: {  	[tilespmem:s14], [sflag:$0x1] =	stream.indirect.gather [hbm4b:s3+s10], $0x20, s13, s10, $0xb8;
	[tilespmem:$0x10200] =	vst v63  }
0x3f: {  	_ = 	snop  }
0x40: {  	[tilespmem:s18], [sflag:$0x1] =	stream.indirect.gather [hbm4b:s4+s10], $0x20, s15, s10, $0xb8;
	[tilespmem:$0x10200] =	vst v63  }
0x41: {  	_ = 	snop  }
0x42: {  	[tilespmem:s20], [sflag:$0x1] =	stream.indirect.gather [hbm4b:s3+s10], $0x20, s19, s10, $0xb8;
	[tilespmem:$0x10200] =	vst v63  }
0x43: {  	_ = 	snop  }
0x44: {  	[tilespmem:s22], [sflag:$0x1] =	stream.indirect.gather [hbm4b:s4+s10], $0x20, s21, s10, $0xb8;
	[tilespmem:$0x10200] =	vst v63  }
0x45: {  	_ = 	snop  }
0x46: {  	[tilespmem:s24], [sflag:$0x1] =	stream.indirect.gather [hbm4b:s3+s10], $0x20, s23, s10, $0xb8;
	[tilespmem:$0x10200] =	vst v63  }
0x47: {  	_ = 	snop  }
0x48: {  	[tilespmem:s26], [sflag:$0x1] =	stream.indirect.gather [hbm4b:s4+s10], $0x20, s25, s10, $0xb8;
	[tilespmem:$0x10200] =	vst v63  }
0x49: {  	_ =	swait.ge [sflag:s28], $0xFA0  }
0x4a: {  	[sflag:s28] =	ssyncset.done $0x0  }
0x4b: {  	[sflag:s28] =	ssyncadd.s32 $0xFFFFF060  }
0x4c: {  	_ =	swait.ge [sflag:s28], $0xFA0  }
0x4d: {  	[sflag:s28] =	ssyncset.done $0x0  }
0x4e: {  	[sflag:s28] =	ssyncadd.s32 $0xFFFFF060  }
0x4f: {  	_ =	swait.ge [sflag:s28], $0xFA0  }
0x50: {  	[sflag:s28] =	ssyncset.done $0x0  }
0x51: {  	[sflag:s28] =	ssyncadd.s32 $0xFFFFF060  }
0x52: {  	_ =	swait.ge [sflag:s28], $0xFA0  }
0x53: {  	[sflag:s28] =	ssyncset.done $0x0  }
0x54: {  	[sflag:s28] =	ssyncadd.s32 $0xFFFFF060  }
0x55: {  	_ =	swait.ge [sflag:s28], $0xFA0  }
0x56: {  	[sflag:s28] =	ssyncset.done $0x0  }
0x57: {  	[sflag:s28] =	ssyncadd.s32 $0xFFFFF060  }
0x58: {  	_ =	swait.ge [sflag:s28], $0xFA0  }
0x59: {  	[sflag:s28] =	ssyncset.done $0x0  }
0x5a: {  	[sflag:s28] =	ssyncadd.s32 $0xFFFFF060  }
0x5b: {  	_ =	swait.ge [sflag:s28], $0xFA0  }
0x5c: {  	[sflag:s28] =	ssyncset.done $0x0  }
0x5d: {  	[sflag:s28] =	ssyncadd.s32 $0xFFFFF060  }
0x5e: {  	_ =	swait.ge [sflag:s28], $0xFA0  }
0x5f: {  	[sflag:s28] =	ssyncset.done $0x0  }
0x60: {  	[sflag:s28] =	ssyncadd.s32 $0xFFFFF060  }
0x61: {  	_ =	swait.ge [sflag:s28], $0xFA0  }
0x62: {  	[sflag:s28] =	ssyncset.done $0x0  }
0x63: {  	[sflag:s28] =	ssyncadd.s32 $0xFFFFF060  }
0x64: {  	_ =	swait.ge [sflag:s28], $0xFA0  }
0x65: {  	[sflag:s28] =	ssyncset.done $0x0  }
0x66: {  	[sflag:s28] =	ssyncadd.s32 $0xFFFFF060  }
0x67: {  	_ =	swait.ge [sflag:s28], $0xFA0  }
0x68: {  	[sflag:s28] =	ssyncset.done $0x0  }
0x69: {  	[sflag:s28] =	ssyncadd.s32 $0xFFFFF060  }
0x6a: {  	_ =	swait.ge [sflag:s28], $0xFA0  }
0x6b: {  	[sflag:s28] =	ssyncset.done $0x0  }
0x6c: {  	[sflag:s28] =	ssyncadd.s32 $0xFFFFF060  }
0x6d: {  	_ =	swait.ge [sflag:s28], $0xFA0  }
0x6e: {  	[sflag:s28] =	ssyncset.done $0x0  }
0x6f: {  	[sflag:s28] =	ssyncadd.s32 $0xFFFFF060  }
0x70: {  	_ =	swait.ge [sflag:s28], $0xFA0  }
0x71: {  	[sflag:s28] =	ssyncset.done $0x0  }
0x72: {  	[sflag:s28] =	ssyncadd.s32 $0xFFFFF060  }
0x73: {  	_ =	swait.ge [sflag:s28], $0xFA0  }
0x74: {  	[sflag:s28] =	ssyncset.done $0x0  }
0x75: {  	[sflag:s28] =	ssyncadd.s32 $0xFFFFF060  }
0x76: {  	_ =	swait.ge [sflag:s28], $0xFA0  }
0x77: {  	[sflag:s28] =	ssyncset.done $0x0  }
0x78: {  	s7 =	rddreg [dreg:$0x14];
	[sflag:s28] =	ssyncadd.s32 $0xFFFFF060  }
0x79: {  	[hbm4b:s7+s2] =	stream.linear.scatter [tilespmem:s11], [sflag:$0x2], $0x7D00, $0x38;
	[tilespmem:$0x10200] =	vst v63  }
0x7a: {  	_ =	swait.ge [sflag:s8], $0x7D00  }
0x7b: {  	s6 =	rddreg [dreg:$0x13]  }
0x7c: {  	s30 =	simm.s32 $0x80;
	s31 =	smov.u32 s6  }
.LBB2_2:
0x7d: {  	[sflag:s8] =	ssyncset.done $0x0  }
0x7e: {  	[sflag:s8] =	ssyncadd.s32 $0xFFFF8300  }
0x7f: {  	[hbm4b:s6+s2] =	stream.linear.scatter [tilespmem:s12], [sflag:$0x2], $0x7D00, $0x38;
	[tilespmem:$0x10200] =	vst v63  }
0x80: {  	_ =	swait.ge [sflag:s8], $0x7D00  }
0x81: {  	s5 =	smov.u32 s30;
	s0 =	rddreg [dreg:$0x3];
	[sflag:s8] =	ssyncset.done $0x0  }
0x82: {  	[sflag:s8] =	ssyncadd.s32 $0xFFFF8300;
	s0 =	sadd.s32 s5, s0  }
0x83: {  	[tilespmem:s2], [sflag:$0x2] =	stream.linear.gather [hbm4b:s0+s2], $0x400, $0x38;
	[tilespmem:$0x10200] =	vst v63  }
0x84: {  	_ =	swait.ge [sflag:s8], $0x400  }
0x85: {  	s13 =	rddreg [dreg:$0x2];
	[sflag:s8] =	ssyncset.done $0x0  }
0x86: {  	[sflag:s8] =	ssyncadd.s32 $0xFFFFFC00;
	s0 =	sadd.s32 s5, s13  }
0x87: {  	[tilespmem:s9], [sflag:$0x2] =	stream.linear.gather [hbm4b:s0+s2], $0x400, $0x38;
	[tilespmem:$0x10200] =	vst v63  }
0x88: {  	_ =	swait.ge [sflag:s8], $0x400  }
0x89: {  	s0 =	rddreg [dreg:$0x11]  }
0x8a: {  	s5 =	rddreg [dreg:$0xf]  }
0x8b: {  	s1 =	rddreg [dreg:$0xd]  }
0x8c: {  	s29 =	rddreg [dreg:$0xb]  }
0x8d: {  	[sflag:s8] =	ssyncset.done $0x0;
	s13 =	rddreg [dreg:$0x4]  }
0x8e: {  	s14 =	rddreg [dreg:$0x5];
	[sflag:s8] =	ssyncadd.s32 $0xFFFFFC00  }
0x8f: {  	[tilespmem:s11], [sflag:$0x1] =	stream.indirect.gather [hbm4b:s3+s10], $0x20, s2, s10, $0xb8;
	[tilespmem:$0x10200] =	vst v63  }
0x90: {  	s15 =	rddreg [dreg:$0x7]  }
0x91: {  	[tilespmem:s12], [sflag:$0x1] =	stream.indirect.gather [hbm4b:s4+s10], $0x20, s9, s10, $0xb8;
	[tilespmem:$0x10200] =	vst v63  }
0x92: {  	s16 =	rddreg [dreg:$0x9]  }
0x93: {  	[tilespmem:s14], [sflag:$0x1] =	stream.indirect.gather [hbm4b:s3+s10], $0x20, s13, s10, $0xb8;
	[tilespmem:$0x10200] =	vst v63  }
0x94: {  	s17 =	rddreg [dreg:$0x6]  }
0x95: {  	[tilespmem:s15], [sflag:$0x1] =	stream.indirect.gather [hbm4b:s4+s10], $0x20, s17, s10, $0xb8;
	[tilespmem:$0x10200] =	vst v63  }
0x96: {  	s14 =	rddreg [dreg:$0x8]  }
0x97: {  	[tilespmem:s16], [sflag:$0x1] =	stream.indirect.gather [hbm4b:s3+s10], $0x20, s14, s10, $0xb8;
	[tilespmem:$0x10200] =	vst v63  }
0x98: {  	s17 =	rddreg [dreg:$0xa]  }
0x99: {  	[tilespmem:s29], [sflag:$0x1] =	stream.indirect.gather [hbm4b:s4+s10], $0x20, s17, s10, $0xb8;
	[tilespmem:$0x10200] =	vst v63  }
0x9a: {  	s16 =	rddreg [dreg:$0xc]  }
0x9b: {  	[tilespmem:s1], [sflag:$0x1] =	stream.indirect.gather [hbm4b:s3+s10], $0x20, s16, s10, $0xb8;
	[tilespmem:$0x10200] =	vst v63  }
0x9c: {  	s17 =	rddreg [dreg:$0xe]  }
0x9d: {  	[tilespmem:s5], [sflag:$0x1] =	stream.indirect.gather [hbm4b:s4+s10], $0x20, s17, s10, $0xb8;
	[tilespmem:$0x10200] =	vst v63  }
0x9e: {  	s29 =	rddreg [dreg:$0x10]  }
0x9f: {  	[tilespmem:s0], [sflag:$0x1] =	stream.indirect.gather [hbm4b:s3+s10], $0x20, s29, s10, $0xb8;
	[tilespmem:$0x10200] =	vst v63  }
0xa0: {  	s1 =	simm.s32 $0x600;
	s5 =	simm.s32 $0xC380  }
0xa1: {  	[tilespmem:s5], [sflag:$0x1] =	stream.indirect.gather [hbm4b:s4+s10], $0x20, s1, s10, $0xb8;
	[tilespmem:$0x10200] =	vst v63  }
0xa2: {  	s13 =	simm.s32 $0x280;
	s14 =	simm.s32 $0x5620  }
0xa3: {  	[tilespmem:s14], [sflag:$0x1] =	stream.indirect.gather [hbm4b:s3+s10], $0x20, s13, s10, $0xb8;
	[tilespmem:$0x10200] =	vst v63  }
0xa4: {  	s15 =	simm.s32 $0x680  }
0xa5: {  	[tilespmem:s18], [sflag:$0x1] =	stream.indirect.gather [hbm4b:s4+s10], $0x20, s15, s10, $0xb8;
	[tilespmem:$0x10200] =	vst v63  }
0xa6: {  	_ = 	snop  }
0xa7: {  	[tilespmem:s20], [sflag:$0x1] =	stream.indirect.gather [hbm4b:s3+s10], $0x20, s19, s10, $0xb8;
	[tilespmem:$0x10200] =	vst v63  }
0xa8: {  	_ = 	snop  }
0xa9: {  	[tilespmem:s22], [sflag:$0x1] =	stream.indirect.gather [hbm4b:s4+s10], $0x20, s21, s10, $0xb8;
	[tilespmem:$0x10200] =	vst v63  }
0xaa: {  	_ = 	snop  }
0xab: {  	[tilespmem:s24], [sflag:$0x1] =	stream.indirect.gather [hbm4b:s3+s10], $0x20, s23, s10, $0xb8;
	[tilespmem:$0x10200] =	vst v63  }
0xac: {  	_ = 	snop  }
0xad: {  	[tilespmem:s26], [sflag:$0x1] =	stream.indirect.gather [hbm4b:s4+s10], $0x20, s25, s10, $0xb8;
	[tilespmem:$0x10200] =	vst v63  }
0xae: {  	_ =	swait.ge [sflag:s28], $0xFA0  }
0xaf: {  	[sflag:s28] =	ssyncset.done $0x0  }
0xb0: {  	[sflag:s28] =	ssyncadd.s32 $0xFFFFF060  }
0xb1: {  	_ =	swait.ge [sflag:s28], $0xFA0  }
0xb2: {  	[sflag:s28] =	ssyncset.done $0x0  }
0xb3: {  	[sflag:s28] =	ssyncadd.s32 $0xFFFFF060  }
0xb4: {  	_ =	swait.ge [sflag:s28], $0xFA0  }
0xb5: {  	[sflag:s28] =	ssyncset.done $0x0  }
0xb6: {  	[sflag:s28] =	ssyncadd.s32 $0xFFFFF060  }
0xb7: {  	_ =	swait.ge [sflag:s28], $0xFA0  }
0xb8: {  	[sflag:s28] =	ssyncset.done $0x0  }
0xb9: {  	[sflag:s28] =	ssyncadd.s32 $0xFFFFF060  }
0xba: {  	_ =	swait.ge [sflag:s28], $0xFA0  }
0xbb: {  	[sflag:s28] =	ssyncset.done $0x0  }
0xbc: {  	[sflag:s28] =	ssyncadd.s32 $0xFFFFF060  }
0xbd: {  	_ =	swait.ge [sflag:s28], $0xFA0  }
0xbe: {  	[sflag:s28] =	ssyncset.done $0x0  }
0xbf: {  	[sflag:s28] =	ssyncadd.s32 $0xFFFFF060  }
0xc0: {  	_ =	swait.ge [sflag:s28], $0xFA0  }
0xc1: {  	[sflag:s28] =	ssyncset.done $0x0  }
0xc2: {  	[sflag:s28] =	ssyncadd.s32 $0xFFFFF060  }
0xc3: {  	_ =	swait.ge [sflag:s28], $0xFA0  }
0xc4: {  	[sflag:s28] =	ssyncset.done $0x0  }
0xc5: {  	[sflag:s28] =	ssyncadd.s32 $0xFFFFF060  }
0xc6: {  	_ =	swait.ge [sflag:s28], $0xFA0  }
0xc7: {  	[sflag:s28] =	ssyncset.done $0x0  }
0xc8: {  	[sflag:s28] =	ssyncadd.s32 $0xFFFFF060  }
0xc9: {  	_ =	swait.ge [sflag:s28], $0xFA0  }
0xca: {  	[sflag:s28] =	ssyncset.done $0x0  }
0xcb: {  	[sflag:s28] =	ssyncadd.s32 $0xFFFFF060  }
0xcc: {  	_ =	swait.ge [sflag:s28], $0xFA0  }
0xcd: {  	[sflag:s28] =	ssyncset.done $0x0  }
0xce: {  	[sflag:s28] =	ssyncadd.s32 $0xFFFFF060  }
0xcf: {  	_ =	swait.ge [sflag:s28], $0xFA0  }
0xd0: {  	[sflag:s28] =	ssyncset.done $0x0  }
0xd1: {  	[sflag:s28] =	ssyncadd.s32 $0xFFFFF060  }
0xd2: {  	_ =	swait.ge [sflag:s28], $0xFA0  }
0xd3: {  	[sflag:s28] =	ssyncset.done $0x0  }
0xd4: {  	[sflag:s28] =	ssyncadd.s32 $0xFFFFF060  }
0xd5: {  	_ =	swait.ge [sflag:s28], $0xFA0  }
0xd6: {  	[sflag:s28] =	ssyncset.done $0x0  }
0xd7: {  	[sflag:s28] =	ssyncadd.s32 $0xFFFFF060  }
0xd8: {  	_ =	swait.ge [sflag:s28], $0xFA0  }
0xd9: {  	[sflag:s28] =	ssyncset.done $0x0  }
0xda: {  	p0 =	sne.s32 s30, $0x480;
	[sflag:s28] =	ssyncadd.s32 $0xFFFFF060  }
.Ltmp0:
0xdb: {  	_ =	swait.ge [sflag:s28], $0xFA0;
	(pc) =	sbr.rel @p0 .LBB2_2-.Ltmp0, $4  }
0xdc: {  	[sflag:s28] =	ssyncset.done $0x0  }
0xdd: {  	s31 =	sadd.s32 $0xFA0, s31;
	s7 =	sadd.s32 $0xFA0, s7;
	[sflag:s28] =	ssyncadd.s32 $0xFFFFF060  }
0xde: {  	[hbm4b:s7+s2] =	stream.linear.scatter [tilespmem:s11], [sflag:$0x2], $0x7D00, $0x38;
	[tilespmem:$0x10200] =	vst v63  }
0xdf: {  	s30 =	sadd.s32 $0x80, s30;
	s6 =	smov.u32 s31;
	_ =	swait.ge [sflag:s8], $0x7D00  }
0xe0: {  	[sflag:s8] =	ssyncset.done $0x0  }
0xe1: {  	[sflag:s8] =	ssyncadd.s32 $0xFFFF8300  }
0xe2: {  	[hbm4b:s6+s2] =	stream.linear.scatter [tilespmem:s12], [sflag:$0x2], $0x7D00, $0x38;
	[tilespmem:$0x10200] =	vst v63  }
0xe3: {  	_ =	swait.ge [sflag:s8], $0x7D00  }
0xe4: {  	s31 =	rddreg [dreg:$0x15]  }
0xe5: {  	s0 =	rddreg [dreg:$0x12];
	s6 =	sadd.s32 $0x1, s31  }
0xe6: {  	p0 =	sne.s32 s6, s0  }
.Ltmp1:
0xe7: {  	_ = 	snop;
	(pc) =	sbr.rel @p0 .LBB2_1-.Ltmp1, $3  }
0xe8: {  	_ =	sdelay $0x1  }
0xe9: {  	[sflag:s8] =	ssyncset.done $0x0  }
0xea: {  	[sflag:s8] =	ssyncadd.s32 $0xFFFF8300  }
0xeb: {  	_ =	sfence.sel $0x180000  }
0xec: {  	[bflag:$0x0] =	sbarrier.arrive $0xFFFF  }
0xed: {  	_ =	strace $0x90000047  }
0xee: {  	s0 =	stileid.u32;
	[bflag:$0x2] =	sbarrier.arrive $0xFFFF  }
0xef: {  	p0 =	sne.s32 s0, $0x0;
	s0 =	rddreg [dreg:$0x1]  }
0xf0: {  	s0 =	sadd.s32 @!p0 $0x100000, s0  }
0xf1: {  	[sflag:s0] =	ssyncadd.tile.s32 @!p0 $0x1;
	_ =	shalt  }
.Lfunc_end2:
_tile_overlayer_lowered:
.L_overlay_start_2:
0xf2: {  	(tag) =	ssettag $0x2  }
0xf3: {  	s0 =	rddreg [dreg:$0x0];
	s2 =	stileid.u32  }
0xf4: {  	s1 =	rddreg [dreg:$0x1];
	p0 =	sne.s32 s2, $0x0  }
0xf5: {  	s3 =	rddreg [dreg:$0x2];
	[bflag:$0x3] =	sbarrier.arrive $0xFFFF;
	s2 =	simm.s32 @!p0 $0x1C02  }
0xf6: {  	[timem:s3], [sflag:s2] =	dma.local @!p0 [hbm:s0], s1  }
0xf7: {  	s0 =	simm.s32 @!p0 $0x2  }
0xf8: {  	_ =	swait.ge @!p0 [sflag:s0], s1  }
0xf9: {  	s1 =	ssub.s32 @!p0 $0x0, s1;
	[sflag:s0] =	ssyncset.done @!p0 $0x0  }
0xfa: {  	[sflag:s0] =	ssyncadd.s32 @!p0 s1  }
0xfb: {  	[bflag:$0x3] =	sbarrier.arrive $0xFFFF  }
0xfc: {  	_ =	shalt  }

</sc_bundles>
